<compile_context>
chip_gen: v7x
topology: tpu7x:2x2x1
jax: 0.10.2.dev20260603
libtpu: 0.0.44.dev20260713+nightly
codegen_flags: <defaults>
</compile_context>

<pallas_src>
import functools

import jax
import jax.numpy as jnp
from jax import lax
from jax.experimental import pallas as pl
from jax.experimental.pallas import tpu as pltpu
from jax.experimental.pallas import tpu_sc as plsc

_NC, _NS, _LANES = 2, 16, 16
_NW = _NC * _NS
_SC_ROWS = 24576
_SC_CHUNK = 64
_TC_TILE = 2976


def _tc_kernel(x_ref, w_ref, b_ref, o_ref):
    o_ref[...] = (
        jnp.dot(x_ref[...], w_ref[...], preferred_element_type=jnp.float32)
        + b_ref[...]
    )


def _tc_heads(x, w, b, rows_tc):
    grid = (rows_tc // _TC_TILE,)
    return pl.pallas_call(
        _tc_kernel,
        grid=grid,
        in_specs=[
            pl.BlockSpec((_TC_TILE, x.shape[1]), lambda i: (i, 0)),
            pl.BlockSpec((x.shape[1], 5), lambda i: (0, 0)),
            pl.BlockSpec((1, 5), lambda i: (0, 0)),
        ],
        out_specs=pl.BlockSpec((_TC_TILE, 5), lambda i: (i, 0)),
        out_shape=jax.ShapeDtypeStruct((rows_tc, 5), jnp.float32),
        compiler_params=pltpu.CompilerParams(
            dimension_semantics=("arbitrary",),
        ),
    )(x[:rows_tc], w, b)


def _make_sc_heads(rows_tc, rows_sc, D):
    rows_per_worker = rows_sc // _NW
    chunks = rows_per_worker // _SC_CHUNK
    blocks = _SC_CHUNK // _LANES
    mesh = plsc.VectorSubcoreMesh(core_axis_name="c", subcore_axis_name="s")

    @functools.partial(
        pl.kernel,
        mesh=mesh,
        out_type=jax.ShapeDtypeStruct((rows_sc // _LANES, 5, _LANES), jnp.float32),
        scratch_types=[
            pltpu.VMEM((_SC_CHUNK, D), jnp.float32),
            pltpu.VMEM((D, 5, _LANES), jnp.float32),
            pltpu.VMEM((5, _LANES), jnp.float32),
            pltpu.VMEM((blocks, 5, _LANES), jnp.float32),
            pltpu.SemaphoreType.DMA,
        ],
        compiler_params=pltpu.CompilerParams(needs_layout_passes=False, use_tc_tiling_on_sc=False),
    )
    def sc_heads(x_hbm, w_hbm, b_hbm, o_hbm, xbuf, wbuf, bbuf, obuf, sem):
        wid = lax.axis_index("s") * _NC + lax.axis_index("c")
        pltpu.sync_copy(w_hbm, wbuf)
        pltpu.sync_copy(b_hbm, bbuf)
        row_iota = lax.iota(jnp.int32, _LANES)

        def do_chunk(ci, carry):
            row0 = rows_tc + wid * rows_per_worker + ci * _SC_CHUNK
            pltpu.async_copy(
                x_hbm.at[pl.ds(row0, _SC_CHUNK), :], xbuf, sem
            ).wait()
            for blk in range(blocks):
                ridx = row_iota + (blk * _LANES)
                accs = tuple(bbuf[o, :] for o in range(5))

                def do_d(d, accs):
                    cidx = jnp.full((_LANES,), d, jnp.int32)
                    col = plsc.load_gather(xbuf, [ridx, cidx])
                    return tuple(
                        accs[o] + col * wbuf[d, o, :] for o in range(5)
                    )

                accs = lax.fori_loop(0, D, do_d, accs)
                for o in range(5):
                    obuf[blk, o, :] = accs[o]
            blk0 = (wid * rows_per_worker + ci * _SC_CHUNK) // _LANES
            pltpu.sync_copy(obuf, o_hbm.at[pl.ds(blk0, blocks)])
            return carry

        lax.fori_loop(0, chunks, do_chunk, 0)

    return sc_heads


def kernel(local_features, W_coords, b_coords, W_pres, b_pres):
    B, C, R, D = local_features.shape
    M = B * C * R
    rows_sc = _SC_ROWS
    rows_tc = M - rows_sc
    x = local_features.reshape(M, D)
    wT = jnp.concatenate([W_coords, W_pres], axis=0)
    b = jnp.concatenate([b_coords, b_pres], axis=0)

    out_tc = _tc_heads(x, wT.T, b.reshape(1, 5), rows_tc)

    b_sc = jnp.broadcast_to(b.reshape(5, 1), (5, _LANES))
    w_sc = jnp.broadcast_to(wT.T.reshape(D, 5, 1), (D, 5, _LANES))
    sc_fn = _make_sc_heads(rows_tc, rows_sc, D)
    out_sc_blocks = sc_fn(x, w_sc, b_sc)
    out_sc = out_sc_blocks.transpose(0, 2, 1).reshape(rows_sc, 5)

    out = jnp.concatenate([out_tc, out_sc], axis=0).reshape(B, C, R, 5)
    return (out[..., :4], out[..., 4:])

# --- scband reference (transcript-rebuilt; emitter-appended) ---
"""Pipeline reference for scband-multi-class-bounding-box-regressor-37237366456337 (READ-ONLY COPY).

The authoritative reference and input builder live on the scoring server;
editing this copy changes nothing except your own understanding.
"""

import jax, jax.numpy as jnp
import numpy as np


def setup_inputs(seed: int = 0) -> dict:
    key = jax.random.key(seed)
    k1, k2, k3, k4, k5 = jax.random.split(key, 5)
    B, C, R, D = 8, 30, 400, 512
    local_features = jax.random.normal(k1, (B, C, R, D), dtype=jnp.float32)
    s = 1.0 / np.sqrt(D)
    # nn.Linear(local_feat_dim, 4) params
    W_coords = jax.random.uniform(k2, (4, D), minval=-s, maxval=s, dtype=jnp.float32)
    b_coords = jax.random.uniform(k3, (4,), minval=-s, maxval=s, dtype=jnp.float32)
    # nn.Linear(local_feat_dim, 1) params
    W_pres = jax.random.uniform(k4, (1, D), minval=-s, maxval=s, dtype=jnp.float32)
    b_pres = jax.random.uniform(k5, (1,), minval=-s, maxval=s, dtype=jnp.float32)
    return {
        "local_features": local_features,
        "W_coords": W_coords,
        "b_coords": b_coords,
        "W_pres": W_pres,
        "b_pres": b_pres,
    }


def reference(local_features, W_coords, b_coords, W_pres, b_pres):
    # Default forward path: apply_nms=False, predict_coords=True, predict_presence=True,
    # predict_relative=False (no grid-center offsets).
    # bbox_coords = self.bbox_coords_fc(local_features)
    bbox_coords = jnp.einsum('bcrd,od->bcro', local_features, W_coords) + b_coords
    # bbox_presence = self.bbox_presence_fc(local_features)
    bbox_presence = jnp.einsum('bcrd,od->bcro', local_features, W_pres) + b_pres
    return (bbox_coords, bbox_presence)

if __name__ == "__main__":
    import jax
    _d = setup_inputs()
    print(jax.jit(kernel)(*tuple(_d.values())))

</pallas_src>

<mosaic_0001>
#map = affine_map<(d0, d1) -> (0, 0)>
#map1 = affine_map<(d0, d1) -> (0, 0, 0)>
module attributes {stable_mosaic.version = 14 : i64} {
  func.func @sc_heads(%arg0: i32, %arg1: i32, %arg2: memref<96000x512xf32, #tpu.memory_space<hbm>>, %arg3: memref<512x5x16xf32, #tpu.memory_space<hbm>>, %arg4: memref<5x16xf32, #tpu.memory_space<hbm>>, %arg5: memref<1536x5x16xf32, #tpu.memory_space<hbm>>, %arg6: memref<64x512xf32, #tpu.memory_space<vmem>>, %arg7: memref<512x5x16xf32, #tpu.memory_space<vmem>>, %arg8: memref<5x16xf32, #tpu.memory_space<vmem>>, %arg9: memref<4x5x16xf32, #tpu.memory_space<vmem>>, %arg10: memref<!tpu.dma_semaphore, #tpu.memory_space<semaphore_mem>>) attributes {dimension_semantics = [#tpu.dimension_semantics<core_parallel>, #tpu.dimension_semantics<subcore_parallel>], iteration_bounds = array<i64: 2, 16>, scalar_prefetch = 0 : i64, scratch_operands = 5 : i64, tpu.core_type = #tpu.core_type<sc_vector_subcore>, window_params = [{transform_indices = #map}, {transform_indices = #map1}, {transform_indices = #map}, {transform_indices = #map1}]} {
    %mul3A = arith.constant 2 : i32
    %mul3A_0 = arith.muli %arg1, %mul3A : i32
    %add3A = arith.addi %mul3A_0, %arg0 : i32
    "tpu.region"() ({
      %run_scoped3A = tpu.sem_alloc : memref<!tpu.dma_semaphore, #tpu.memory_space<semaphore_mem>>
      tpu.enqueue_dma source(%arg3 : memref<512x5x16xf32, #tpu.memory_space<hbm>>) target(%arg7 : memref<512x5x16xf32, #tpu.memory_space<vmem>>) target_semaphore(%run_scoped3A : memref<!tpu.dma_semaphore, #tpu.memory_space<semaphore_mem>>)
      tpu.wait_dma2 semaphore(%run_scoped3A : memref<!tpu.dma_semaphore, #tpu.memory_space<semaphore_mem>>) src(%arg3 : memref<512x5x16xf32, #tpu.memory_space<hbm>>) dst(%arg7 : memref<512x5x16xf32, #tpu.memory_space<vmem>>)
      tpu.yield
    }) : () -> ()
    "tpu.region"() ({
      %run_scoped3A = tpu.sem_alloc : memref<!tpu.dma_semaphore, #tpu.memory_space<semaphore_mem>>
      tpu.enqueue_dma source(%arg4 : memref<5x16xf32, #tpu.memory_space<hbm>>) target(%arg8 : memref<5x16xf32, #tpu.memory_space<vmem>>) target_semaphore(%run_scoped3A : memref<!tpu.dma_semaphore, #tpu.memory_space<semaphore_mem>>)
      tpu.wait_dma2 semaphore(%run_scoped3A : memref<!tpu.dma_semaphore, #tpu.memory_space<semaphore_mem>>) src(%arg4 : memref<5x16xf32, #tpu.memory_space<hbm>>) dst(%arg8 : memref<5x16xf32, #tpu.memory_space<vmem>>)
      tpu.yield
    }) : () -> ()
    %iota3A = tpu.iota {dimensions = array<i32: 0>} : vector<16xi32>
    %scan3A = arith.constant 0 : i32
    %scan3A_1 = arith.constant 0 : i32
    %scan3A_2 = arith.constant 12 : i32
    %scan3A_3 = arith.addi %scan3A_1, %scan3A_2 : i32
    %scan3A_4 = arith.constant 1 : i32
    scf.for %scan3A_6 = %scan3A_1 to %scan3A_3 step %scan3A_4  : i32 {
      %mul3A_7 = arith.constant 768 : i32
      %mul3A_8 = arith.muli %add3A, %mul3A_7 : i32
      %add3A_9 = arith.constant 71424 : i32
      %add3A_10 = arith.addi %add3A_9, %mul3A_8 : i32
      %mul3A_11 = arith.constant 64 : i32
      %mul3A_12 = arith.muli %scan3A_6, %mul3A_11 : i32
      %add3A_13 = arith.addi %add3A_10, %mul3A_12 : i32
      %dma_start3A = arith.constant 0 : i32
      %dma_start3A_14 = tpu.memref_slice %arg2[%add3A_13, %dma_start3A] : memref<96000x512xf32, #tpu.memory_space<hbm>> -> memref<64x512xf32, #tpu.memory_space<hbm>>
      %dma_start3A_15 = arith.constant 0 : i32
      %dma_start3A_16 = tpu.memref_slice %arg2[%add3A_13, %dma_start3A_15] : memref<96000x512xf32, #tpu.memory_space<hbm>> -> memref<64x512xf32, #tpu.memory_space<hbm>>
      tpu.enqueue_dma source(%dma_start3A_16 : memref<64x512xf32, #tpu.memory_space<hbm>>) target(%arg6 : memref<64x512xf32, #tpu.memory_space<vmem>>) target_semaphore(%arg10 : memref<!tpu.dma_semaphore, #tpu.memory_space<semaphore_mem>>)
      %dma_wait3A = arith.constant 0 : i32
      %dma_wait3A_17 = tpu.memref_slice %arg2[%add3A_13, %dma_wait3A] : memref<96000x512xf32, #tpu.memory_space<hbm>> -> memref<64x512xf32, #tpu.memory_space<hbm>>
      %dma_wait3A_18 = arith.constant 0 : i32
      %dma_wait3A_19 = tpu.memref_slice %arg2[%add3A_13, %dma_wait3A_18] : memref<96000x512xf32, #tpu.memory_space<hbm>> -> memref<64x512xf32, #tpu.memory_space<hbm>>
      tpu.wait_dma2 semaphore(%arg10 : memref<!tpu.dma_semaphore, #tpu.memory_space<semaphore_mem>>) src(%dma_wait3A_19 : memref<64x512xf32, #tpu.memory_space<hbm>>) dst(%arg6 : memref<64x512xf32, #tpu.memory_space<vmem>>)
      %add3A_20 = arith.constant 0 : i32
      %add3A_21 = vector.broadcast %add3A_20 : i32 to vector<16xi32>
      %add3A_22 = arith.addi %iota3A, %add3A_21 : vector<16xi32>
      %get3A = arith.constant 0 : i32
      %get3A_23 = arith.index_cast %get3A : i32 to index
      %get3A_24 = arith.constant 0 : index
      %get3A_25 = tpu.vector_load %arg8[%get3A_23, %get3A_24] {strides = array<i32>} : memref<5x16xf32, #tpu.memory_space<vmem>>, vector<16xf32>,
      %get3A_26 = arith.constant 1 : i32
      %get3A_27 = arith.index_cast %get3A_26 : i32 to index
      %get3A_28 = arith.constant 0 : index
      %get3A_29 = tpu.vector_load %arg8[%get3A_27, %get3A_28] {strides = array<i32>} : memref<5x16xf32, #tpu.memory_space<vmem>>, vector<16xf32>,
      %get3A_30 = arith.constant 2 : i32
      %get3A_31 = arith.index_cast %get3A_30 : i32 to index
      %get3A_32 = arith.constant 0 : index
      %get3A_33 = tpu.vector_load %arg8[%get3A_31, %get3A_32] {strides = array<i32>} : memref<5x16xf32, #tpu.memory_space<vmem>>, vector<16xf32>,
      %get3A_34 = arith.constant 3 : i32
      %get3A_35 = arith.index_cast %get3A_34 : i32 to index
      %get3A_36 = arith.constant 0 : index
      %get3A_37 = tpu.vector_load %arg8[%get3A_35, %get3A_36] {strides = array<i32>} : memref<5x16xf32, #tpu.memory_space<vmem>>, vector<16xf32>,
      %get3A_38 = arith.constant 4 : i32
      %get3A_39 = arith.index_cast %get3A_38 : i32 to index
      %get3A_40 = arith.constant 0 : index
      %get3A_41 = tpu.vector_load %arg8[%get3A_39, %get3A_40] {strides = array<i32>} : memref<5x16xf32, #tpu.memory_space<vmem>>, vector<16xf32>,
      %scan3A_42 = arith.constant 0 : i32
      %scan3A_43 = arith.constant 512 : i32
      %scan3A_44 = arith.addi %scan3A_42, %scan3A_43 : i32
      %scan3A_45 = arith.constant 1 : i32
      %scan3A_46:5 = scf.for %scan3A_275 = %scan3A_42 to %scan3A_44 step %scan3A_45 iter_args(%scan3A_276 = %get3A_25, %scan3A_277 = %get3A_29, %scan3A_278 = %get3A_33, %scan3A_279 = %get3A_37, %scan3A_280 = %get3A_41) -> (vector<16xf32>, vector<16xf32>, vector<16xf32>, vector<16xf32>, vector<16xf32>)  : i32 {
        %broadcast_in_dim3A = vector.broadcast %scan3A_275 : i32 to vector<16xi32>
        %gather3A = tpu.vector_load_idx %arg6[%add3A_22, %broadcast_in_dim3A] : memref<64x512xf32, #tpu.memory_space<vmem>>[vector<16xi32>, vector<16xi32>], vector<16xf32>,
        %get3A_281 = arith.constant 0 : i32
        %get3A_282 = arith.index_cast %scan3A_275 : i32 to index
        %get3A_283 = arith.index_cast %get3A_281 : i32 to index
        %get3A_284 = arith.constant 0 : index
        %get3A_285 = tpu.vector_load %arg7[%get3A_282, %get3A_283, %get3A_284] {strides = array<i32>} : memref<512x5x16xf32, #tpu.memory_space<vmem>>, vector<16xf32>,
        %mul3A_286 = arith.mulf %gather3A, %get3A_285 : vector<16xf32>
        %add3A_287 = arith.addf %scan3A_276, %mul3A_286 : vector<16xf32>
        %get3A_288 = arith.constant 1 : i32
        %get3A_289 = arith.index_cast %scan3A_275 : i32 to index
        %get3A_290 = arith.index_cast %get3A_288 : i32 to index
        %get3A_291 = arith.constant 0 : index
        %get3A_292 = tpu.vector_load %arg7[%get3A_289, %get3A_290, %get3A_291] {strides = array<i32>} : memref<512x5x16xf32, #tpu.memory_space<vmem>>, vector<16xf32>,
        %mul3A_293 = arith.mulf %gather3A, %get3A_292 : vector<16xf32>
        %add3A_294 = arith.addf %scan3A_277, %mul3A_293 : vector<16xf32>
        %get3A_295 = arith.constant 2 : i32
        %get3A_296 = arith.index_cast %scan3A_275 : i32 to index
        %get3A_297 = arith.index_cast %get3A_295 : i32 to index
        %get3A_298 = arith.constant 0 : index
        %get3A_299 = tpu.vector_load %arg7[%get3A_296, %get3A_297, %get3A_298] {strides = array<i32>} : memref<512x5x16xf32, #tpu.memory_space<vmem>>, vector<16xf32>,
        %mul3A_300 = arith.mulf %gather3A, %get3A_299 : vector<16xf32>
        %add3A_301 = arith.addf %scan3A_278, %mul3A_300 : vector<16xf32>
        %get3A_302 = arith.constant 3 : i32
        %get3A_303 = arith.index_cast %scan3A_275 : i32 to index
        %get3A_304 = arith.index_cast %get3A_302 : i32 to index
        %get3A_305 = arith.constant 0 : index
        %get3A_306 = tpu.vector_load %arg7[%get3A_303, %get3A_304, %get3A_305] {strides = array<i32>} : memref<512x5x16xf32, #tpu.memory_space<vmem>>, vector<16xf32>,
        %mul3A_307 = arith.mulf %gather3A, %get3A_306 : vector<16xf32>
        %add3A_308 = arith.addf %scan3A_279, %mul3A_307 : vector<16xf32>
        %get3A_309 = arith.constant 4 : i32
        %get3A_310 = arith.index_cast %scan3A_275 : i32 to index
        %get3A_311 = arith.index_cast %get3A_309 : i32 to index
        %get3A_312 = arith.constant 0 : index
        %get3A_313 = tpu.vector_load %arg7[%get3A_310, %get3A_311, %get3A_312] {strides = array<i32>} : memref<512x5x16xf32, #tpu.memory_space<vmem>>, vector<16xf32>,
        %mul3A_314 = arith.mulf %gather3A, %get3A_313 : vector<16xf32>
        %add3A_315 = arith.addf %scan3A_280, %mul3A_314 : vector<16xf32>
        scf.yield %add3A_287, %add3A_294, %add3A_301, %add3A_308, %add3A_315 : vector<16xf32>, vector<16xf32>, vector<16xf32>, vector<16xf32>, vector<16xf32>
      }
      %scan3A_47 = arith.constant 512 : i32
      %swap3A = arith.constant 0 : i32
      %swap3A_48 = arith.constant 0 : i32
      %swap3A_49 = arith.index_cast %swap3A : i32 to index
      %swap3A_50 = arith.index_cast %swap3A_48 : i32 to index
      %swap3A_51 = arith.constant 0 : index
      %swap3A_52 = tpu.vector_load %arg9[%swap3A_49, %swap3A_50, %swap3A_51] {strides = array<i32>} : memref<4x5x16xf32, #tpu.memory_space<vmem>>, vector<16xf32>,
      tpu.vector_store %arg9[%swap3A_49, %swap3A_50, %swap3A_51], %scan3A_46#0 {strides = array<i32>} : memref<4x5x16xf32, #tpu.memory_space<vmem>>, vector<16xf32>,
      %swap3A_53 = arith.constant 0 : i32
      %swap3A_54 = arith.constant 1 : i32
      %swap3A_55 = arith.index_cast %swap3A_53 : i32 to index
      %swap3A_56 = arith.index_cast %swap3A_54 : i32 to index
      %swap3A_57 = arith.constant 0 : index
      %swap3A_58 = tpu.vector_load %arg9[%swap3A_55, %swap3A_56, %swap3A_57] {strides = array<i32>} : memref<4x5x16xf32, #tpu.memory_space<vmem>>, vector<16xf32>,
      tpu.vector_store %arg9[%swap3A_55, %swap3A_56, %swap3A_57], %scan3A_46#1 {strides = array<i32>} : memref<4x5x16xf32, #tpu.memory_space<vmem>>, vector<16xf32>,
      %swap3A_59 = arith.constant 0 : i32
      %swap3A_60 = arith.constant 2 : i32
      %swap3A_61 = arith.index_cast %swap3A_59 : i32 to index
      %swap3A_62 = arith.index_cast %swap3A_60 : i32 to index
      %swap3A_63 = arith.constant 0 : index
      %swap3A_64 = tpu.vector_load %arg9[%swap3A_61, %swap3A_62, %swap3A_63] {strides = array<i32>} : memref<4x5x16xf32, #tpu.memory_space<vmem>>, vector<16xf32>,
      tpu.vector_store %arg9[%swap3A_61, %swap3A_62, %swap3A_63], %scan3A_46#2 {strides = array<i32>} : memref<4x5x16xf32, #tpu.memory_space<vmem>>, vector<16xf32>,
      %swap3A_65 = arith.constant 0 : i32
      %swap3A_66 = arith.constant 3 : i32
      %swap3A_67 = arith.index_cast %swap3A_65 : i32 to index
      %swap3A_68 = arith.index_cast %swap3A_66 : i32 to index
      %swap3A_69 = arith.constant 0 : index
      %swap3A_70 = tpu.vector_load %arg9[%swap3A_67, %swap3A_68, %swap3A_69] {strides = array<i32>} : memref<4x5x16xf32, #tpu.memory_space<vmem>>, vector<16xf32>,
      tpu.vector_store %arg9[%swap3A_67, %swap3A_68, %swap3A_69], %scan3A_46#3 {strides = array<i32>} : memref<4x5x16xf32, #tpu.memory_space<vmem>>, vector<16xf32>,
      %swap3A_71 = arith.constant 0 : i32
      %swap3A_72 = arith.constant 4 : i32
      %swap3A_73 = arith.index_cast %swap3A_71 : i32 to index
      %swap3A_74 = arith.index_cast %swap3A_72 : i32 to index
      %swap3A_75 = arith.constant 0 : index
      %swap3A_76 = tpu.vector_load %arg9[%swap3A_73, %swap3A_74, %swap3A_75] {strides = array<i32>} : memref<4x5x16xf32, #tpu.memory_space<vmem>>, vector<16xf32>,
      tpu.vector_store %arg9[%swap3A_73, %swap3A_74, %swap3A_75], %scan3A_46#4 {strides = array<i32>} : memref<4x5x16xf32, #tpu.memory_space<vmem>>, vector<16xf32>,
      %add3A_77 = arith.constant 16 : i32
      %add3A_78 = vector.broadcast %add3A_77 : i32 to vector<16xi32>
      %add3A_79 = arith.addi %iota3A, %add3A_78 : vector<16xi32>
      %get3A_80 = arith.constant 0 : i32
      %get3A_81 = arith.index_cast %get3A_80 : i32 to index
      %get3A_82 = arith.constant 0 : index
      %get3A_83 = tpu.vector_load %arg8[%get3A_81, %get3A_82] {strides = array<i32>} : memref<5x16xf32, #tpu.memory_space<vmem>>, vector<16xf32>,
      %get3A_84 = arith.constant 1 : i32
      %get3A_85 = arith.index_cast %get3A_84 : i32 to index
      %get3A_86 = arith.constant 0 : index
      %get3A_87 = tpu.vector_load %arg8[%get3A_85, %get3A_86] {strides = array<i32>} : memref<5x16xf32, #tpu.memory_space<vmem>>, vector<16xf32>,
      %get3A_88 = arith.constant 2 : i32
      %get3A_89 = arith.index_cast %get3A_88 : i32 to index
      %get3A_90 = arith.constant 0 : index
      %get3A_91 = tpu.vector_load %arg8[%get3A_89, %get3A_90] {strides = array<i32>} : memref<5x16xf32, #tpu.memory_space<vmem>>, vector<16xf32>,
      %get3A_92 = arith.constant 3 : i32
      %get3A_93 = arith.index_cast %get3A_92 : i32 to index
      %get3A_94 = arith.constant 0 : index
      %get3A_95 = tpu.vector_load %arg8[%get3A_93, %get3A_94] {strides = array<i32>} : memref<5x16xf32, #tpu.memory_space<vmem>>, vector<16xf32>,
      %get3A_96 = arith.constant 4 : i32
      %get3A_97 = arith.index_cast %get3A_96 : i32 to index
      %get3A_98 = arith.constant 0 : index
      %get3A_99 = tpu.vector_load %arg8[%get3A_97, %get3A_98] {strides = array<i32>} : memref<5x16xf32, #tpu.memory_space<vmem>>, vector<16xf32>,
      %scan3A_100 = arith.constant 0 : i32
      %scan3A_101 = arith.constant 512 : i32
      %scan3A_102 = arith.addi %scan3A_100, %scan3A_101 : i32
      %scan3A_103 = arith.constant 1 : i32
      %scan3A_104:5 = scf.for %scan3A_275 = %scan3A_100 to %scan3A_102 step %scan3A_103 iter_args(%scan3A_276 = %get3A_83, %scan3A_277 = %get3A_87, %scan3A_278 = %get3A_91, %scan3A_279 = %get3A_95, %scan3A_280 = %get3A_99) -> (vector<16xf32>, vector<16xf32>, vector<16xf32>, vector<16xf32>, vector<16xf32>)  : i32 {
        %broadcast_in_dim3A = vector.broadcast %scan3A_275 : i32 to vector<16xi32>
        %gather3A = tpu.vector_load_idx %arg6[%add3A_79, %broadcast_in_dim3A] : memref<64x512xf32, #tpu.memory_space<vmem>>[vector<16xi32>, vector<16xi32>], vector<16xf32>,
        %get3A_281 = arith.constant 0 : i32
        %get3A_282 = arith.index_cast %scan3A_275 : i32 to index
        %get3A_283 = arith.index_cast %get3A_281 : i32 to index
        %get3A_284 = arith.constant 0 : index
        %get3A_285 = tpu.vector_load %arg7[%get3A_282, %get3A_283, %get3A_284] {strides = array<i32>} : memref<512x5x16xf32, #tpu.memory_space<vmem>>, vector<16xf32>,
        %mul3A_286 = arith.mulf %gather3A, %get3A_285 : vector<16xf32>
        %add3A_287 = arith.addf %scan3A_276, %mul3A_286 : vector<16xf32>
        %get3A_288 = arith.constant 1 : i32
        %get3A_289 = arith.index_cast %scan3A_275 : i32 to index
        %get3A_290 = arith.index_cast %get3A_288 : i32 to index
        %get3A_291 = arith.constant 0 : index
        %get3A_292 = tpu.vector_load %arg7[%get3A_289, %get3A_290, %get3A_291] {strides = array<i32>} : memref<512x5x16xf32, #tpu.memory_space<vmem>>, vector<16xf32>,
        %mul3A_293 = arith.mulf %gather3A, %get3A_292 : vector<16xf32>
        %add3A_294 = arith.addf %scan3A_277, %mul3A_293 : vector<16xf32>
        %get3A_295 = arith.constant 2 : i32
        %get3A_296 = arith.index_cast %scan3A_275 : i32 to index
        %get3A_297 = arith.index_cast %get3A_295 : i32 to index
        %get3A_298 = arith.constant 0 : index
        %get3A_299 = tpu.vector_load %arg7[%get3A_296, %get3A_297, %get3A_298] {strides = array<i32>} : memref<512x5x16xf32, #tpu.memory_space<vmem>>, vector<16xf32>,
        %mul3A_300 = arith.mulf %gather3A, %get3A_299 : vector<16xf32>
        %add3A_301 = arith.addf %scan3A_278, %mul3A_300 : vector<16xf32>
        %get3A_302 = arith.constant 3 : i32
        %get3A_303 = arith.index_cast %scan3A_275 : i32 to index
        %get3A_304 = arith.index_cast %get3A_302 : i32 to index
        %get3A_305 = arith.constant 0 : index
        %get3A_306 = tpu.vector_load %arg7[%get3A_303, %get3A_304, %get3A_305] {strides = array<i32>} : memref<512x5x16xf32, #tpu.memory_space<vmem>>, vector<16xf32>,
        %mul3A_307 = arith.mulf %gather3A, %get3A_306 : vector<16xf32>
        %add3A_308 = arith.addf %scan3A_279, %mul3A_307 : vector<16xf32>
        %get3A_309 = arith.constant 4 : i32
        %get3A_310 = arith.index_cast %scan3A_275 : i32 to index
        %get3A_311 = arith.index_cast %get3A_309 : i32 to index
        %get3A_312 = arith.constant 0 : index
        %get3A_313 = tpu.vector_load %arg7[%get3A_310, %get3A_311, %get3A_312] {strides = array<i32>} : memref<512x5x16xf32, #tpu.memory_space<vmem>>, vector<16xf32>,
        %mul3A_314 = arith.mulf %gather3A, %get3A_313 : vector<16xf32>
        %add3A_315 = arith.addf %scan3A_280, %mul3A_314 : vector<16xf32>
        scf.yield %add3A_287, %add3A_294, %add3A_301, %add3A_308, %add3A_315 : vector<16xf32>, vector<16xf32>, vector<16xf32>, vector<16xf32>, vector<16xf32>
      }
      %scan3A_105 = arith.constant 512 : i32
      %swap3A_106 = arith.constant 1 : i32
      %swap3A_107 = arith.constant 0 : i32
      %swap3A_108 = arith.index_cast %swap3A_106 : i32 to index
      %swap3A_109 = arith.index_cast %swap3A_107 : i32 to index
      %swap3A_110 = arith.constant 0 : index
      %swap3A_111 = tpu.vector_load %arg9[%swap3A_108, %swap3A_109, %swap3A_110] {strides = array<i32>} : memref<4x5x16xf32, #tpu.memory_space<vmem>>, vector<16xf32>,
      tpu.vector_store %arg9[%swap3A_108, %swap3A_109, %swap3A_110], %scan3A_104#0 {strides = array<i32>} : memref<4x5x16xf32, #tpu.memory_space<vmem>>, vector<16xf32>,
      %swap3A_112 = arith.constant 1 : i32
      %swap3A_113 = arith.constant 1 : i32
      %swap3A_114 = arith.index_cast %swap3A_112 : i32 to index
      %swap3A_115 = arith.index_cast %swap3A_113 : i32 to index
      %swap3A_116 = arith.constant 0 : index
      %swap3A_117 = tpu.vector_load %arg9[%swap3A_114, %swap3A_115, %swap3A_116] {strides = array<i32>} : memref<4x5x16xf32, #tpu.memory_space<vmem>>, vector<16xf32>,
      tpu.vector_store %arg9[%swap3A_114, %swap3A_115, %swap3A_116], %scan3A_104#1 {strides = array<i32>} : memref<4x5x16xf32, #tpu.memory_space<vmem>>, vector<16xf32>,
      %swap3A_118 = arith.constant 1 : i32
      %swap3A_119 = arith.constant 2 : i32
      %swap3A_120 = arith.index_cast %swap3A_118 : i32 to index
      %swap3A_121 = arith.index_cast %swap3A_119 : i32 to index
      %swap3A_122 = arith.constant 0 : index
      %swap3A_123 = tpu.vector_load %arg9[%swap3A_120, %swap3A_121, %swap3A_122] {strides = array<i32>} : memref<4x5x16xf32, #tpu.memory_space<vmem>>, vector<16xf32>,
      tpu.vector_store %arg9[%swap3A_120, %swap3A_121, %swap3A_122], %scan3A_104#2 {strides = array<i32>} : memref<4x5x16xf32, #tpu.memory_space<vmem>>, vector<16xf32>,
      %swap3A_124 = arith.constant 1 : i32
      %swap3A_125 = arith.constant 3 : i32
      %swap3A_126 = arith.index_cast %swap3A_124 : i32 to index
      %swap3A_127 = arith.index_cast %swap3A_125 : i32 to index
      %swap3A_128 = arith.constant 0 : index
      %swap3A_129 = tpu.vector_load %arg9[%swap3A_126, %swap3A_127, %swap3A_128] {strides = array<i32>} : memref<4x5x16xf32, #tpu.memory_space<vmem>>, vector<16xf32>,
      tpu.vector_store %arg9[%swap3A_126, %swap3A_127, %swap3A_128], %scan3A_104#3 {strides = array<i32>} : memref<4x5x16xf32, #tpu.memory_space<vmem>>, vector<16xf32>,
      %swap3A_130 = arith.constant 1 : i32
      %swap3A_131 = arith.constant 4 : i32
      %swap3A_132 = arith.index_cast %swap3A_130 : i32 to index
      %swap3A_133 = arith.index_cast %swap3A_131 : i32 to index
      %swap3A_134 = arith.constant 0 : index
      %swap3A_135 = tpu.vector_load %arg9[%swap3A_132, %swap3A_133, %swap3A_134] {strides = array<i32>} : memref<4x5x16xf32, #tpu.memory_space<vmem>>, vector<16xf32>,
      tpu.vector_store %arg9[%swap3A_132, %swap3A_133, %swap3A_134], %scan3A_104#4 {strides = array<i32>} : memref<4x5x16xf32, #tpu.memory_space<vmem>>, vector<16xf32>,
      %add3A_136 = arith.constant 32 : i32
      %add3A_137 = vector.broadcast %add3A_136 : i32 to vector<16xi32>
      %add3A_138 = arith.addi %iota3A, %add3A_137 : vector<16xi32>
      %get3A_139 = arith.constant 0 : i32
      %get3A_140 = arith.index_cast %get3A_139 : i32 to index
      %get3A_141 = arith.constant 0 : index
      %get3A_142 = tpu.vector_load %arg8[%get3A_140, %get3A_141] {strides = array<i32>} : memref<5x16xf32, #tpu.memory_space<vmem>>, vector<16xf32>,
      %get3A_143 = arith.constant 1 : i32
      %get3A_144 = arith.index_cast %get3A_143 : i32 to index
      %get3A_145 = arith.constant 0 : index
      %get3A_146 = tpu.vector_load %arg8[%get3A_144, %get3A_145] {strides = array<i32>} : memref<5x16xf32, #tpu.memory_space<vmem>>, vector<16xf32>,
      %get3A_147 = arith.constant 2 : i32
      %get3A_148 = arith.index_cast %get3A_147 : i32 to index
      %get3A_149 = arith.constant 0 : index
      %get3A_150 = tpu.vector_load %arg8[%get3A_148, %get3A_149] {strides = array<i32>} : memref<5x16xf32, #tpu.memory_space<vmem>>, vector<16xf32>,
      %get3A_151 = arith.constant 3 : i32
      %get3A_152 = arith.index_cast %get3A_151 : i32 to index
      %get3A_153 = arith.constant 0 : index
      %get3A_154 = tpu.vector_load %arg8[%get3A_152, %get3A_153] {strides = array<i32>} : memref<5x16xf32, #tpu.memory_space<vmem>>, vector<16xf32>,
      %get3A_155 = arith.constant 4 : i32
      %get3A_156 = arith.index_cast %get3A_155 : i32 to index
      %get3A_157 = arith.constant 0 : index
      %get3A_158 = tpu.vector_load %arg8[%get3A_156, %get3A_157] {strides = array<i32>} : memref<5x16xf32, #tpu.memory_space<vmem>>, vector<16xf32>,
      %scan3A_159 = arith.constant 0 : i32
      %scan3A_160 = arith.constant 512 : i32
      %scan3A_161 = arith.addi %scan3A_159, %scan3A_160 : i32
      %scan3A_162 = arith.constant 1 : i32
      %scan3A_163:5 = scf.for %scan3A_275 = %scan3A_159 to %scan3A_161 step %scan3A_162 iter_args(%scan3A_276 = %get3A_142, %scan3A_277 = %get3A_146, %scan3A_278 = %get3A_150, %scan3A_279 = %get3A_154, %scan3A_280 = %get3A_158) -> (vector<16xf32>, vector<16xf32>, vector<16xf32>, vector<16xf32>, vector<16xf32>)  : i32 {
        %broadcast_in_dim3A = vector.broadcast %scan3A_275 : i32 to vector<16xi32>
        %gather3A = tpu.vector_load_idx %arg6[%add3A_138, %broadcast_in_dim3A] : memref<64x512xf32, #tpu.memory_space<vmem>>[vector<16xi32>, vector<16xi32>], vector<16xf32>,
        %get3A_281 = arith.constant 0 : i32
        %get3A_282 = arith.index_cast %scan3A_275 : i32 to index
        %get3A_283 = arith.index_cast %get3A_281 : i32 to index
        %get3A_284 = arith.constant 0 : index
        %get3A_285 = tpu.vector_load %arg7[%get3A_282, %get3A_283, %get3A_284] {strides = array<i32>} : memref<512x5x16xf32, #tpu.memory_space<vmem>>, vector<16xf32>,
        %mul3A_286 = arith.mulf %gather3A, %get3A_285 : vector<16xf32>
        %add3A_287 = arith.addf %scan3A_276, %mul3A_286 : vector<16xf32>
        %get3A_288 = arith.constant 1 : i32
        %get3A_289 = arith.index_cast %scan3A_275 : i32 to index
        %get3A_290 = arith.index_cast %get3A_288 : i32 to index
        %get3A_291 = arith.constant 0 : index
        %get3A_292 = tpu.vector_load %arg7[%get3A_289, %get3A_290, %get3A_291] {strides = array<i32>} : memref<512x5x16xf32, #tpu.memory_space<vmem>>, vector<16xf32>,
        %mul3A_293 = arith.mulf %gather3A, %get3A_292 : vector<16xf32>
        %add3A_294 = arith.addf %scan3A_277, %mul3A_293 : vector<16xf32>
        %get3A_295 = arith.constant 2 : i32
        %get3A_296 = arith.index_cast %scan3A_275 : i32 to index
        %get3A_297 = arith.index_cast %get3A_295 : i32 to index
        %get3A_298 = arith.constant 0 : index
        %get3A_299 = tpu.vector_load %arg7[%get3A_296, %get3A_297, %get3A_298] {strides = array<i32>} : memref<512x5x16xf32, #tpu.memory_space<vmem>>, vector<16xf32>,
        %mul3A_300 = arith.mulf %gather3A, %get3A_299 : vector<16xf32>
        %add3A_301 = arith.addf %scan3A_278, %mul3A_300 : vector<16xf32>
        %get3A_302 = arith.constant 3 : i32
        %get3A_303 = arith.index_cast %scan3A_275 : i32 to index
        %get3A_304 = arith.index_cast %get3A_302 : i32 to index
        %get3A_305 = arith.constant 0 : index
        %get3A_306 = tpu.vector_load %arg7[%get3A_303, %get3A_304, %get3A_305] {strides = array<i32>} : memref<512x5x16xf32, #tpu.memory_space<vmem>>, vector<16xf32>,
        %mul3A_307 = arith.mulf %gather3A, %get3A_306 : vector<16xf32>
        %add3A_308 = arith.addf %scan3A_279, %mul3A_307 : vector<16xf32>
        %get3A_309 = arith.constant 4 : i32
        %get3A_310 = arith.index_cast %scan3A_275 : i32 to index
        %get3A_311 = arith.index_cast %get3A_309 : i32 to index
        %get3A_312 = arith.constant 0 : index
        %get3A_313 = tpu.vector_load %arg7[%get3A_310, %get3A_311, %get3A_312] {strides = array<i32>} : memref<512x5x16xf32, #tpu.memory_space<vmem>>, vector<16xf32>,
        %mul3A_314 = arith.mulf %gather3A, %get3A_313 : vector<16xf32>
        %add3A_315 = arith.addf %scan3A_280, %mul3A_314 : vector<16xf32>
        scf.yield %add3A_287, %add3A_294, %add3A_301, %add3A_308, %add3A_315 : vector<16xf32>, vector<16xf32>, vector<16xf32>, vector<16xf32>, vector<16xf32>
      }
      %scan3A_164 = arith.constant 512 : i32
      %swap3A_165 = arith.constant 2 : i32
      %swap3A_166 = arith.constant 0 : i32
      %swap3A_167 = arith.index_cast %swap3A_165 : i32 to index
      %swap3A_168 = arith.index_cast %swap3A_166 : i32 to index
      %swap3A_169 = arith.constant 0 : index
      %swap3A_170 = tpu.vector_load %arg9[%swap3A_167, %swap3A_168, %swap3A_169] {strides = array<i32>} : memref<4x5x16xf32, #tpu.memory_space<vmem>>, vector<16xf32>,
      tpu.vector_store %arg9[%swap3A_167, %swap3A_168, %swap3A_169], %scan3A_163#0 {strides = array<i32>} : memref<4x5x16xf32, #tpu.memory_space<vmem>>, vector<16xf32>,
      %swap3A_171 = arith.constant 2 : i32
      %swap3A_172 = arith.constant 1 : i32
      %swap3A_173 = arith.index_cast %swap3A_171 : i32 to index
      %swap3A_174 = arith.index_cast %swap3A_172 : i32 to index
      %swap3A_175 = arith.constant 0 : index
      %swap3A_176 = tpu.vector_load %arg9[%swap3A_173, %swap3A_174, %swap3A_175] {strides = array<i32>} : memref<4x5x16xf32, #tpu.memory_space<vmem>>, vector<16xf32>,
      tpu.vector_store %arg9[%swap3A_173, %swap3A_174, %swap3A_175], %scan3A_163#1 {strides = array<i32>} : memref<4x5x16xf32, #tpu.memory_space<vmem>>, vector<16xf32>,
      %swap3A_177 = arith.constant 2 : i32
      %swap3A_178 = arith.constant 2 : i32
      %swap3A_179 = arith.index_cast %swap3A_177 : i32 to index
      %swap3A_180 = arith.index_cast %swap3A_178 : i32 to index
      %swap3A_181 = arith.constant 0 : index
      %swap3A_182 = tpu.vector_load %arg9[%swap3A_179, %swap3A_180, %swap3A_181] {strides = array<i32>} : memref<4x5x16xf32, #tpu.memory_space<vmem>>, vector<16xf32>,
      tpu.vector_store %arg9[%swap3A_179, %swap3A_180, %swap3A_181], %scan3A_163#2 {strides = array<i32>} : memref<4x5x16xf32, #tpu.memory_space<vmem>>, vector<16xf32>,
      %swap3A_183 = arith.constant 2 : i32
      %swap3A_184 = arith.constant 3 : i32
      %swap3A_185 = arith.index_cast %swap3A_183 : i32 to index
      %swap3A_186 = arith.index_cast %swap3A_184 : i32 to index
      %swap3A_187 = arith.constant 0 : index
      %swap3A_188 = tpu.vector_load %arg9[%swap3A_185, %swap3A_186, %swap3A_187] {strides = array<i32>} : memref<4x5x16xf32, #tpu.memory_space<vmem>>, vector<16xf32>,
      tpu.vector_store %arg9[%swap3A_185, %swap3A_186, %swap3A_187], %scan3A_163#3 {strides = array<i32>} : memref<4x5x16xf32, #tpu.memory_space<vmem>>, vector<16xf32>,
      %swap3A_189 = arith.constant 2 : i32
      %swap3A_190 = arith.constant 4 : i32
      %swap3A_191 = arith.index_cast %swap3A_189 : i32 to index
      %swap3A_192 = arith.index_cast %swap3A_190 : i32 to index
      %swap3A_193 = arith.constant 0 : index
      %swap3A_194 = tpu.vector_load %arg9[%swap3A_191, %swap3A_192, %swap3A_193] {strides = array<i32>} : memref<4x5x16xf32, #tpu.memory_space<vmem>>, vector<16xf32>,
      tpu.vector_store %arg9[%swap3A_191, %swap3A_192, %swap3A_193], %scan3A_163#4 {strides = array<i32>} : memref<4x5x16xf32, #tpu.memory_space<vmem>>, vector<16xf32>,
      %add3A_195 = arith.constant 48 : i32
      %add3A_196 = vector.broadcast %add3A_195 : i32 to vector<16xi32>
      %add3A_197 = arith.addi %iota3A, %add3A_196 : vector<16xi32>
      %get3A_198 = arith.constant 0 : i32
      %get3A_199 = arith.index_cast %get3A_198 : i32 to index
      %get3A_200 = arith.constant 0 : index
      %get3A_201 = tpu.vector_load %arg8[%get3A_199, %get3A_200] {strides = array<i32>} : memref<5x16xf32, #tpu.memory_space<vmem>>, vector<16xf32>,
      %get3A_202 = arith.constant 1 : i32
      %get3A_203 = arith.index_cast %get3A_202 : i32 to index
      %get3A_204 = arith.constant 0 : index
      %get3A_205 = tpu.vector_load %arg8[%get3A_203, %get3A_204] {strides = array<i32>} : memref<5x16xf32, #tpu.memory_space<vmem>>, vector<16xf32>,
      %get3A_206 = arith.constant 2 : i32
      %get3A_207 = arith.index_cast %get3A_206 : i32 to index
      %get3A_208 = arith.constant 0 : index
      %get3A_209 = tpu.vector_load %arg8[%get3A_207, %get3A_208] {strides = array<i32>} : memref<5x16xf32, #tpu.memory_space<vmem>>, vector<16xf32>,
      %get3A_210 = arith.constant 3 : i32
      %get3A_211 = arith.index_cast %get3A_210 : i32 to index
      %get3A_212 = arith.constant 0 : index
      %get3A_213 = tpu.vector_load %arg8[%get3A_211, %get3A_212] {strides = array<i32>} : memref<5x16xf32, #tpu.memory_space<vmem>>, vector<16xf32>,
      %get3A_214 = arith.constant 4 : i32
      %get3A_215 = arith.index_cast %get3A_214 : i32 to index
      %get3A_216 = arith.constant 0 : index
      %get3A_217 = tpu.vector_load %arg8[%get3A_215, %get3A_216] {strides = array<i32>} : memref<5x16xf32, #tpu.memory_space<vmem>>, vector<16xf32>,
      %scan3A_218 = arith.constant 0 : i32
      %scan3A_219 = arith.constant 512 : i32
      %scan3A_220 = arith.addi %scan3A_218, %scan3A_219 : i32
      %scan3A_221 = arith.constant 1 : i32
      %scan3A_222:5 = scf.for %scan3A_275 = %scan3A_218 to %scan3A_220 step %scan3A_221 iter_args(%scan3A_276 = %get3A_201, %scan3A_277 = %get3A_205, %scan3A_278 = %get3A_209, %scan3A_279 = %get3A_213, %scan3A_280 = %get3A_217) -> (vector<16xf32>, vector<16xf32>, vector<16xf32>, vector<16xf32>, vector<16xf32>)  : i32 {
        %broadcast_in_dim3A = vector.broadcast %scan3A_275 : i32 to vector<16xi32>
        %gather3A = tpu.vector_load_idx %arg6[%add3A_197, %broadcast_in_dim3A] : memref<64x512xf32, #tpu.memory_space<vmem>>[vector<16xi32>, vector<16xi32>], vector<16xf32>,
        %get3A_281 = arith.constant 0 : i32
        %get3A_282 = arith.index_cast %scan3A_275 : i32 to index
        %get3A_283 = arith.index_cast %get3A_281 : i32 to index
        %get3A_284 = arith.constant 0 : index
        %get3A_285 = tpu.vector_load %arg7[%get3A_282, %get3A_283, %get3A_284] {strides = array<i32>} : memref<512x5x16xf32, #tpu.memory_space<vmem>>, vector<16xf32>,
        %mul3A_286 = arith.mulf %gather3A, %get3A_285 : vector<16xf32>
        %add3A_287 = arith.addf %scan3A_276, %mul3A_286 : vector<16xf32>
        %get3A_288 = arith.constant 1 : i32
        %get3A_289 = arith.index_cast %scan3A_275 : i32 to index
        %get3A_290 = arith.index_cast %get3A_288 : i32 to index
        %get3A_291 = arith.constant 0 : index
        %get3A_292 = tpu.vector_load %arg7[%get3A_289, %get3A_290, %get3A_291] {strides = array<i32>} : memref<512x5x16xf32, #tpu.memory_space<vmem>>, vector<16xf32>,
        %mul3A_293 = arith.mulf %gather3A, %get3A_292 : vector<16xf32>
        %add3A_294 = arith.addf %scan3A_277, %mul3A_293 : vector<16xf32>
        %get3A_295 = arith.constant 2 : i32
        %get3A_296 = arith.index_cast %scan3A_275 : i32 to index
        %get3A_297 = arith.index_cast %get3A_295 : i32 to index
        %get3A_298 = arith.constant 0 : index
        %get3A_299 = tpu.vector_load %arg7[%get3A_296, %get3A_297, %get3A_298] {strides = array<i32>} : memref<512x5x16xf32, #tpu.memory_space<vmem>>, vector<16xf32>,
        %mul3A_300 = arith.mulf %gather3A, %get3A_299 : vector<16xf32>
        %add3A_301 = arith.addf %scan3A_278, %mul3A_300 : vector<16xf32>
        %get3A_302 = arith.constant 3 : i32
        %get3A_303 = arith.index_cast %scan3A_275 : i32 to index
        %get3A_304 = arith.index_cast %get3A_302 : i32 to index
        %get3A_305 = arith.constant 0 : index
        %get3A_306 = tpu.vector_load %arg7[%get3A_303, %get3A_304, %get3A_305] {strides = array<i32>} : memref<512x5x16xf32, #tpu.memory_space<vmem>>, vector<16xf32>,
        %mul3A_307 = arith.mulf %gather3A, %get3A_306 : vector<16xf32>
        %add3A_308 = arith.addf %scan3A_279, %mul3A_307 : vector<16xf32>
        %get3A_309 = arith.constant 4 : i32
        %get3A_310 = arith.index_cast %scan3A_275 : i32 to index
        %get3A_311 = arith.index_cast %get3A_309 : i32 to index
        %get3A_312 = arith.constant 0 : index
        %get3A_313 = tpu.vector_load %arg7[%get3A_310, %get3A_311, %get3A_312] {strides = array<i32>} : memref<512x5x16xf32, #tpu.memory_space<vmem>>, vector<16xf32>,
        %mul3A_314 = arith.mulf %gather3A, %get3A_313 : vector<16xf32>
        %add3A_315 = arith.addf %scan3A_280, %mul3A_314 : vector<16xf32>
        scf.yield %add3A_287, %add3A_294, %add3A_301, %add3A_308, %add3A_315 : vector<16xf32>, vector<16xf32>, vector<16xf32>, vector<16xf32>, vector<16xf32>
      }
      %scan3A_223 = arith.constant 512 : i32
      %swap3A_224 = arith.constant 3 : i32
      %swap3A_225 = arith.constant 0 : i32
      %swap3A_226 = arith.index_cast %swap3A_224 : i32 to index
      %swap3A_227 = arith.index_cast %swap3A_225 : i32 to index
      %swap3A_228 = arith.constant 0 : index
      %swap3A_229 = tpu.vector_load %arg9[%swap3A_226, %swap3A_227, %swap3A_228] {strides = array<i32>} : memref<4x5x16xf32, #tpu.memory_space<vmem>>, vector<16xf32>,
      tpu.vector_store %arg9[%swap3A_226, %swap3A_227, %swap3A_228], %scan3A_222#0 {strides = array<i32>} : memref<4x5x16xf32, #tpu.memory_space<vmem>>, vector<16xf32>,
      %swap3A_230 = arith.constant 3 : i32
      %swap3A_231 = arith.constant 1 : i32
      %swap3A_232 = arith.index_cast %swap3A_230 : i32 to index
      %swap3A_233 = arith.index_cast %swap3A_231 : i32 to index
      %swap3A_234 = arith.constant 0 : index
      %swap3A_235 = tpu.vector_load %arg9[%swap3A_232, %swap3A_233, %swap3A_234] {strides = array<i32>} : memref<4x5x16xf32, #tpu.memory_space<vmem>>, vector<16xf32>,
      tpu.vector_store %arg9[%swap3A_232, %swap3A_233, %swap3A_234], %scan3A_222#1 {strides = array<i32>} : memref<4x5x16xf32, #tpu.memory_space<vmem>>, vector<16xf32>,
      %swap3A_236 = arith.constant 3 : i32
      %swap3A_237 = arith.constant 2 : i32
      %swap3A_238 = arith.index_cast %swap3A_236 : i32 to index
      %swap3A_239 = arith.index_cast %swap3A_237 : i32 to index
      %swap3A_240 = arith.constant 0 : index
      %swap3A_241 = tpu.vector_load %arg9[%swap3A_238, %swap3A_239, %swap3A_240] {strides = array<i32>} : memref<4x5x16xf32, #tpu.memory_space<vmem>>, vector<16xf32>,
      tpu.vector_store %arg9[%swap3A_238, %swap3A_239, %swap3A_240], %scan3A_222#2 {strides = array<i32>} : memref<4x5x16xf32, #tpu.memory_space<vmem>>, vector<16xf32>,
      %swap3A_242 = arith.constant 3 : i32
      %swap3A_243 = arith.constant 3 : i32
      %swap3A_244 = arith.index_cast %swap3A_242 : i32 to index
      %swap3A_245 = arith.index_cast %swap3A_243 : i32 to index
      %swap3A_246 = arith.constant 0 : index
      %swap3A_247 = tpu.vector_load %arg9[%swap3A_244, %swap3A_245, %swap3A_246] {strides = array<i32>} : memref<4x5x16xf32, #tpu.memory_space<vmem>>, vector<16xf32>,
      tpu.vector_store %arg9[%swap3A_244, %swap3A_245, %swap3A_246], %scan3A_222#3 {strides = array<i32>} : memref<4x5x16xf32, #tpu.memory_space<vmem>>, vector<16xf32>,
      %swap3A_248 = arith.constant 3 : i32
      %swap3A_249 = arith.constant 4 : i32
      %swap3A_250 = arith.index_cast %swap3A_248 : i32 to index
      %swap3A_251 = arith.index_cast %swap3A_249 : i32 to index
      %swap3A_252 = arith.constant 0 : index
      %swap3A_253 = tpu.vector_load %arg9[%swap3A_250, %swap3A_251, %swap3A_252] {strides = array<i32>} : memref<4x5x16xf32, #tpu.memory_space<vmem>>, vector<16xf32>,
      tpu.vector_store %arg9[%swap3A_250, %swap3A_251, %swap3A_252], %scan3A_222#4 {strides = array<i32>} : memref<4x5x16xf32, #tpu.memory_space<vmem>>, vector<16xf32>,
      %mul3A_254 = arith.constant 768 : i32
      %mul3A_255 = arith.muli %add3A, %mul3A_254 : i32
      %mul3A_256 = arith.constant 64 : i32
      %mul3A_257 = arith.muli %scan3A_6, %mul3A_256 : i32
      %add3A_258 = arith.addi %mul3A_255, %mul3A_257 : i32
      %jit3A = arith.constant 16 : i32
      %div3A = arith.divsi %add3A_258, %jit3A : i32
      %sign3A = arith.constant 0 : i32
      %sign3A_259 = arith.cmpi sgt, %add3A_258, %sign3A : i32
      %sign3A_260 = arith.extui %sign3A_259 : i1 to i32
      %sign3A_261 = arith.constant 0 : i32
      %sign3A_262 = arith.cmpi slt, %add3A_258, %sign3A_261 : i32
      %sign3A_263 = arith.extui %sign3A_262 : i1 to i32
      %sign3A_264 = arith.subi %sign3A_260, %sign3A_263 : i32
      %sign3A_265 = arith.constant 0 : i32
      %sign3A_266 = arith.cmpi sgt, %jit3A, %sign3A_265 : i32
      %sign3A_267 = arith.extui %sign3A_266 : i1 to i32
      %sign3A_268 = arith.constant 0 : i32
      %sign3A_269 = arith.cmpi slt, %jit3A, %sign3A_268 : i32
      %sign3A_270 = arith.extui %sign3A_269 : i1 to i32
      %sign3A_271 = arith.subi %sign3A_267, %sign3A_270 : i32
      %ne3A = arith.cmpi ne, %sign3A_264, %sign3A_271 : i32
      %rem3A = arith.remsi %add3A_258, %jit3A : i32
      %ne3A_272 = arith.constant 0 : i32
      %ne3A_273 = arith.cmpi ne, %rem3A, %ne3A_272 : i32
      %and3A = arith.andi %ne3A, %ne3A_273 : i1
      %sub3A = arith.constant 1 : i32
      %sub3A_274 = arith.subi %div3A, %sub3A : i32
      %select_n3A = arith.select %and3A, %sub3A_274, %div3A : i32
      "tpu.region"() ({
        %run_scoped3A = tpu.sem_alloc : memref<!tpu.dma_semaphore, #tpu.memory_space<semaphore_mem>>
        %dma_start3A_275 = arith.constant 0 : i32
        %dma_start3A_276 = arith.constant 0 : i32
        %dma_start3A_277 = tpu.memref_slice %arg5[%select_n3A, %dma_start3A_275, %dma_start3A_276] : memref<1536x5x16xf32, #tpu.memory_space<hbm>> -> memref<4x5x16xf32, #tpu.memory_space<hbm>>
        %dma_start3A_278 = arith.constant 0 : i32
        %dma_start3A_279 = arith.constant 0 : i32
        %dma_start3A_280 = tpu.memref_slice %arg5[%select_n3A, %dma_start3A_278, %dma_start3A_279] : memref<1536x5x16xf32, #tpu.memory_space<hbm>> -> memref<4x5x16xf32, #tpu.memory_space<hbm>>
        tpu.enqueue_dma source(%arg9 : memref<4x5x16xf32, #tpu.memory_space<vmem>>) target(%dma_start3A_280 : memref<4x5x16xf32, #tpu.memory_space<hbm>>) target_semaphore(%run_scoped3A : memref<!tpu.dma_semaphore, #tpu.memory_space<semaphore_mem>>)
        %dma_wait3A_281 = arith.constant 0 : i32
        %dma_wait3A_282 = arith.constant 0 : i32
        %dma_wait3A_283 = tpu.memref_slice %arg5[%select_n3A, %dma_wait3A_281, %dma_wait3A_282] : memref<1536x5x16xf32, #tpu.memory_space<hbm>> -> memref<4x5x16xf32, #tpu.memory_space<hbm>>
        %dma_wait3A_284 = arith.constant 0 : i32
        %dma_wait3A_285 = arith.constant 0 : i32
        %dma_wait3A_286 = tpu.memref_slice %arg5[%select_n3A, %dma_wait3A_284, %dma_wait3A_285] : memref<1536x5x16xf32, #tpu.memory_space<hbm>> -> memref<4x5x16xf32, #tpu.memory_space<hbm>>
        tpu.wait_dma2 semaphore(%run_scoped3A : memref<!tpu.dma_semaphore, #tpu.memory_space<semaphore_mem>>) src(%arg9 : memref<4x5x16xf32, #tpu.memory_space<vmem>>) dst(%dma_wait3A_286 : memref<4x5x16xf32, #tpu.memory_space<hbm>>)
        tpu.yield
      }) : () -> ()
    }
    %scan3A_5 = arith.constant 12 : i32
    return
  }
}

module attributes {stable_mosaic.version = 14 : i64} {
  func.func @_tc_kernel(%arg0: i32, %arg1: memref<2976x512xf32, #tpu.memory_space<vmem>>, %arg2: memref<512x5xf32, #tpu.memory_space<vmem>>, %arg3: memref<1x5xf32, #tpu.memory_space<vmem>>, %arg4: memref<2976x5xf32, #tpu.memory_space<vmem>>) attributes {dimension_semantics = [#tpu.dimension_semantics<arbitrary>], iteration_bounds = array<i64: 24>, scalar_prefetch = 0 : i64, scratch_operands = 0 : i64, tpu.core_type = #tpu.core_type<tc>, window_params = [{transform_indices = @transform_0, window_bounds = array<i64: 2976, 512>}, {pipeline_mode = #tpu.pipeline_mode<synchronous>, transform_indices = @transform_1, window_bounds = array<i64: 512, 5>}, {pipeline_mode = #tpu.pipeline_mode<synchronous>, transform_indices = @transform_2, window_bounds = array<i64: 1, 5>}, {transform_indices = @transform_3, window_bounds = array<i64: 2976, 5>}]} {
    %get3A = arith.constant 0 : index
    %get3A_0 = arith.constant 0 : index
    %get3A_1 = vector.load %arg1[%get3A, %get3A_0] : memref<2976x512xf32, #tpu.memory_space<vmem>>, vector<2976x512xf32>
    %get3A_2 = arith.constant 0 : index
    %get3A_3 = arith.constant 0 : index
    %get3A_4 = vector.load %arg2[%get3A_2, %get3A_3] : memref<512x5xf32, #tpu.memory_space<vmem>>, vector<512x5xf32>
    %dot_general3A = arith.constant dense<0.000000e+00> : vector<2976x5xf32>
    %dot_general3A_5 = tpu.matmul %get3A_1, %get3A_4, %dot_general3A {dimension_numbers = #tpu.dot_dimension_numbers<[1], [0], [0], [1], [0, 0, 1, 1], [], []>, transpose_lhs_hint = false} : vector<2976x512xf32>, vector<512x5xf32>, vector<2976x5xf32> -> vector<2976x5xf32>
    %get3A_6 = arith.constant 0 : index
    %get3A_7 = arith.constant 0 : index
    %get3A_8 = vector.load %arg3[%get3A_6, %get3A_7] : memref<1x5xf32, #tpu.memory_space<vmem>>, vector<1x5xf32>
    %add3A = vector.broadcast %get3A_8 : vector<1x5xf32> to vector<2976x5xf32>
    %add3A_9 = arith.addf %dot_general3A_5, %add3A : vector<2976x5xf32>
    %swap3A = arith.constant 0 : index
    %swap3A_10 = arith.constant 0 : index
    %swap3A_11 = vector.load %arg4[%swap3A, %swap3A_10] : memref<2976x5xf32, #tpu.memory_space<vmem>>, vector<2976x5xf32>
    tpu.vector_store %arg4[%swap3A, %swap3A_10], %add3A_9 {strides = array<i32>} : memref<2976x5xf32, #tpu.memory_space<vmem>>, vector<2976x5xf32>,
    return
  }
  func.func @transform_0(%arg0: i32) -> (i32, i32) {
    %c0_i32 = arith.constant 0 : i32
    %c0_i32_0 = arith.constant 0 : i32
    return %arg0, %c0_i32 : i32, i32
  }
  func.func @transform_1(%arg0: i32) -> (i32, i32) {
    %c0_i32 = arith.constant 0 : i32
    %c0_i32_0 = arith.constant 0 : i32
    %c0_i32_1 = arith.constant 0 : i32
    return %c0_i32, %c0_i32_0 : i32, i32
  }
  func.func @transform_2(%arg0: i32) -> (i32, i32) {
    %c0_i32 = arith.constant 0 : i32
    %c0_i32_0 = arith.constant 0 : i32
    %c0_i32_1 = arith.constant 0 : i32
    return %c0_i32, %c0_i32_0 : i32, i32
  }
  func.func @transform_3(%arg0: i32) -> (i32, i32) {
    %c0_i32 = arith.constant 0 : i32
    %c0_i32_0 = arith.constant 0 : i32
    return %arg0, %c0_i32 : i32, i32
  }
}

</mosaic_0001>

<sc_bundles>
// kernel: kernel.4.cloned.1.call-start
scs
__scs_entry_jumppad:
0x0: {  	(pc) =	sbr.rel $0x88, $3  }
0x1: {  	(tag) =	ssettag $0x0;
	lr =	simm.s32 $0x1  }
0x2: {  	[smem:$0x3F9C] =	sst lr;
	_ =	strace $0xD0000000  }
0x3: {  	_ = 	snop  }
0x4: {  	_ = 	snop  }
0x5: {  	_ = 	snop  }
0x6: {  	_ = 	snop  }
0x7: {  	_ = 	snop  }
__scs_overlays_trampoline_lowered:
0x8: {  	[smem:$0x3FAB] =	sst s0  }
0x9: {  	[smem:$0x3FAC] =	sst s1  }
0xa: {  	[smem:$0x3FAD] =	sst s2  }
0xb: {  	[smem:$0x3FAE] =	sst s3  }
0xc: {  	[smem:$0x3FAF] =	sst s4  }
0xd: {  	[smem:$0x3FB0] =	sst s5  }
0xe: {  	[smem:$0x3FB1] =	sst s6  }
0xf: {  	[smem:$0x3FB2] =	sst s7  }
0x10: {  	[smem:$0x3FB3] =	sst s8  }
0x11: {  	[smem:$0x3FB4] =	sst s9;
	s0 =	simm.s32 @!p0 $0x0  }
0x12: {  	s1 =	sld [smem:$0x3F9A];
	s0 =	simm.s32 @p0 $0x1  }
0x13: {  	[smem:$0x3FB5] =	sst s0;
	s0 =	simm.s32 @!p1 $0x0  }
0x14: {  	s2 =	sld [smem:$0x3F99];
	s0 =	simm.s32 @p1 $0x1  }
0x15: {  	[smem:$0x3FB6] =	sst s0;
	s0 =	simm.s32 @!p2 $0x0  }
0x16: {  	s3 =	sld [smem:$0x3FDB];
	s0 =	simm.s32 @p2 $0x1  }
0x17: {  	s4 =	simm.s32 $0x1BF5;
	[smem:$0x3FB8] =	sst s0  }
0x18: {  	s0 =	sld [smem:$0x3F9B];
	_ =	swait.ge [sflag:s4], $0x0  }
0x19: {  	s7 =	sld [smem:$0x3F9C]  }
0x1a: {  	s8 =	sadd.s32 $0xFFFFE003, lr  }
0x1b: {  	s9 =	sadd.s32 $0xFFFFFEF7, lr;
	s5 =	simm.s32 $0xFFFFFFFF;
	p2 =	slt.u32 s8, $0xFFFFF086  }
0x1c: {  	p1 =	slt.u32 s9, $0xF7A;
	s5 =	simm.s32 @!p2 $0x0  }
0x1d: {  	s5 =	simm.s32 @p1 $0x1;
	p0 =	seq.s32 s7, s2  }
0x1e: {  	s7 =	smul.u32 @!p0 $0xF7A, s2;
	p2 =	seq.s32 @!p0 s5, $0x0  }
0x1f: {  	s9 =	smul.u32 $0xF7A, s1;
	s8 =	simm.s32 @!p0 $0x1BF5;
	p2 =	por !p2, p0  }
0x20: {  	[sflag:s8] =	ssyncset.s32 @!p0 $0xFFFFF086;
	s6 =	sadd.s32 @!p0 s3, s7;
	s7 =	simm.s32 @!p0 $0x108  }
0x21: {  	s3 =	sadd.s32 s3, s9;
	s6 =	sadd.s32 @!p0 $0x88, s6;
	s7 =	simm.s32 @p2 $0x1082  }
0x22: {  	[simem:s7], [sflag:s8] =	dma.local @!p0 [hbm:s6], $0xF7A  }
0x23: {  	s9 =	sor.u32 $0xD0000000, s2;
	s6 =	simm.s32 $0x108;
	_ =	swait.ge @!p0 [sflag:s8], $0x0  }
0x24: {  	s3 =	sadd.s32 $0x88, s3;
	s6 =	simm.s32 @!p1 $0x1082;
	[sflag:s4] =	ssyncset.s32 $0xFFFFF086  }
0x25: {  	[simem:s6], [sflag:s4] =	dma.local [hbm:s3], $0xF7A  }
0x26: {  	[smem:$0x3F9C] =	sst s1;
	(tag) =	ssettag s2;
	_ =	strace s9  }
0x27: {  	s1 =	sld [smem:$0x3FAC]  }
0x28: {  	s2 =	sld [smem:$0x3FAD]  }
0x29: {  	s4 =	sld [smem:$0x3FAF]  }
0x2a: {  	p0 =	seq.s32 s5, $0x0;
	s5 =	sld [smem:$0x3FB0]  }
0x2b: {  	s6 =	sld [smem:$0x3FB1]  }
0x2c: {  	s7 =	sld [smem:$0x3FB2]  }
0x2d: {  	s3 =	simm.s32 $0x108;
	s8 =	sld [smem:$0x3FB3]  }
0x2e: {  	s3 =	simm.s32 @!p0 $0x1082;
	s9 =	sld [smem:$0x3FB4]  }
0x2f: {  	lr =	sadd.s32 s0, s3;
	s0 =	sld [smem:$0x3FAB]  }
0x30: {  	s3 =	sld [smem:$0x3FAE]  }
0x31: {  	[smem:$0x3FB7] =	sst s10  }
0x32: {  	s10 =	sld [smem:$0x3FB5];
	_ =	sdelay $0x3  }
0x33: {  	p0 =	seq.s32 s10, $0x1;
	s10 =	sld [smem:$0x3FB7];
	_ =	sdelay $0x3  }
0x34: {  	[smem:$0x3FB7] =	sst s10  }
0x35: {  	s10 =	sld [smem:$0x3FB6];
	_ =	sdelay $0x3  }
0x36: {  	p1 =	seq.s32 s10, $0x1;
	s10 =	sld [smem:$0x3FB7];
	_ =	sdelay $0x3  }
0x37: {  	[smem:$0x3FB7] =	sst s10  }
0x38: {  	s10 =	sld [smem:$0x3FB8]  }
0x39: {  	_ = 	snop;
	(pc) =	sbr.ind lr, $3  }
0x3a: {  	_ = 	snop  }
0x3b: {  	_ = 	snop  }
0x3c: {  	p2 =	seq.s32 s10, $0x1;
	s10 =	sld [smem:$0x3FB7]  }
0x3d: {  	_ =	shalt  }
0x3e: {  	_ =	shalt  }
0x3f: {  	_ =	shalt  }
0x40: {  	_ =	shalt  }
0x41: {  	_ =	shalt  }
0x42: {  	_ =	shalt  }
0x43: {  	_ =	shalt  }
0x44: {  	_ =	shalt  }
0x45: {  	_ =	shalt  }
0x46: {  	_ =	shalt  }
0x47: {  	_ =	shalt  }
0x48: {  	_ =	shalt  }
0x49: {  	_ =	shalt  }
0x4a: {  	_ =	shalt  }
0x4b: {  	_ =	shalt  }
0x4c: {  	_ =	shalt  }
0x4d: {  	_ =	shalt  }
0x4e: {  	_ =	shalt  }
0x4f: {  	_ =	shalt  }
0x50: {  	_ =	shalt  }
0x51: {  	_ =	shalt  }
0x52: {  	_ =	shalt  }
0x53: {  	_ =	shalt  }
0x54: {  	_ =	shalt  }
0x55: {  	_ =	shalt  }
0x56: {  	_ =	shalt  }
0x57: {  	_ =	shalt  }
0x58: {  	_ =	shalt  }
0x59: {  	_ =	shalt  }
0x5a: {  	_ =	shalt  }
0x5b: {  	_ =	shalt  }
0x5c: {  	_ =	shalt  }
0x5d: {  	_ =	shalt  }
0x5e: {  	_ =	shalt  }
0x5f: {  	_ =	shalt  }
0x60: {  	_ =	shalt  }
0x61: {  	_ =	shalt  }
0x62: {  	_ =	shalt  }
0x63: {  	_ =	shalt  }
0x64: {  	_ =	shalt  }
0x65: {  	_ =	shalt  }
0x66: {  	_ =	shalt  }
0x67: {  	_ =	shalt  }
0x68: {  	_ =	shalt  }
0x69: {  	_ =	shalt  }
0x6a: {  	_ =	shalt  }
0x6b: {  	_ =	shalt  }
0x6c: {  	_ =	shalt  }
0x6d: {  	_ =	shalt  }
0x6e: {  	_ =	shalt  }
0x6f: {  	_ =	shalt  }
0x70: {  	_ =	shalt  }
0x71: {  	_ =	shalt  }
0x72: {  	_ =	shalt  }
0x73: {  	_ =	shalt  }
0x74: {  	_ =	shalt  }
0x75: {  	_ =	shalt  }
0x76: {  	_ =	shalt  }
0x77: {  	_ =	shalt  }
0x78: {  	_ =	shalt  }
0x79: {  	_ =	shalt  }
0x7a: {  	_ =	shalt  }
0x7b: {  	_ =	shalt  }
0x7c: {  	_ =	shalt  }
0x7d: {  	_ =	shalt  }
0x7e: {  	_ =	shalt  }
0x7f: {  	_ =	shalt  }
0x80: {  	_ =	shalt  }
0x81: {  	_ =	shalt  }
0x82: {  	_ =	shalt  }
0x83: {  	_ =	shalt  }
0x84: {  	_ =	shalt  }
0x85: {  	_ =	shalt  }
0x86: {  	_ =	shalt  }
0x87: {  	_ =	shalt  }
.Lfunc_end0:
.L_simem_size_0:
called_computation.1_lowered:
.L_overlay_start_0:
0x88: {  	s2 =	sld [smem:$0x3FD9]  }
0x89: {  	s3 =	sld [smem:$0x3FFE];
	_ =	sdelay $0x1  }
0x8a: {  	s1 =	srdreg.scid  }
0x8b: {  	s0 =	sand.u32 $0x1, s1  }
0x8c: {  	s14 =	sshll.u32 s0, $0xA;
	s2 =	sadd.s32 s3, s2  }
0x8d: {  	s2 =	sadd.s32 s2, s14  }
0x8e: {  	[smem:$0x3FC3] =	sst s2  }
0x8f: {  	_ = 	snop  }
0x90: {  	s2 =	sld [smem:$0x3FD0];
	_ =	sdelay $0x2  }
0x91: {  	s15 =	simm.s32 $0xA;
	s4 =	simm.s32 $0x10  }
0x92: {  	[smem:s4], [sflag:s15] =	dma.local [hbm:s2], $0x1  }
0x93: {  	_ =	swait.eq [sflag:s15], $0x1  }
0x94: {  	[sflag:s15] =	ssyncset.done $0x0  }
0x95: {  	[sflag:s15] =	ssyncadd.s32 $0xFFFFFFFF  }
0x96: {  	s16 =	sld [smem:$0x11];
	(tm) =	ssettm $0x1  }
0x97: {  	s17 =	sld [smem:$0x3FFB];
	_ =	sdelay $0x3  }
0x98: {  	_ =	strace s17  }
0x99: {  	s3 =	sld [smem:$0x3FFC];
	_ =	sdelay $0x3  }
0x9a: {  	_ =	strace s3  }
0x9b: {  	s3 =	sld [smem:$0x3FFD];
	_ =	sdelay $0x3  }
0x9c: {  	_ =	strace s3  }
0x9d: {  	_ =	strace $0x8FFFFFFF  }
0x9e: {  	s18 =	sld [smem:$0x3FDB];
	_ =	sdelay $0x1  }
0x9f: {  	s19 =	simm.s32 $_scs_section_size  }
0xa0: {  	s5 =	simm.s32 $_size__tile_overlayer_lowered;
	s6 =	simm.s32 $_tile_overlayer_lowered  }
0xa1: {  	s22 =	simm.s32 $0x1BFF;
	s21 =	sshll.u32 s6, $0x1;
	s3 =	sadd.s32 s19, s18  }
0xa2: {  	s7 =	simm.s32 $0x0;
	s20 =	sshll.u32 s5, $0x1;
	s5 =	sadd.s32 s21, s3  }
0xa3: {  	[timem:s7], [sflag:s22] =	dma.local [hbm:s5], s20  }
0xa4: {  	_ =	swait.ge [sflag:s22], s20  }
0xa5: {  	s4 =	ssub.s32 $0x0, s20;
	[sflag:s22] =	ssyncset.done $0x0  }
0xa6: {  	[sflag:s22] =	ssyncadd.s32 s4;
	_ =	sdelay $0x1  }
0xa7: {  	s23 =	simm.s32 $0x1B8B  }
0xa8: {  	_ =	swait.ge [sflag:s23], $0x1  }
0xa9: {  	[sflag:s23] =	ssyncset.done $0x0  }
0xaa: {  	s25 =	simm.s32 $0x1B8E;
	s24 =	sld [smem:$0x3FFE];
	[sflag:s23] =	ssyncadd.s32 $0xFFFFFFFF  }
0xab: {  	s26 =	simm.s32 $execute0_lowered;
	[smem:$0x3FD2] =	sst s25  }
0xac: {  	s5 =	sshll.u32 s26, $0x1;
	_ =	strace $0x80000049;
	[dreg:$0x1] =	wrdreg $0xFFFFFFFF  }
0xad: {  	s28 =	simm.s32 $_size_execute0_lowered;
	s3 =	sadd.s32 s3, s5;
	[dreg:$0x0] =	wrdreg $0x0  }
0xae: {  	s5 =	sshll.u32 s28, $0x1;
	[dreg:$0x2] =	wrdreg s3  }
0xaf: {  	[dreg:$0x3] =	wrdreg s5  }
0xb0: {  	[dreg:$0x4] =	wrdreg $0xC0  }
0xb1: {  	_ =	task [dreg:s7], $0x5FFFF  }
0xb2: {  	[dreg:$0x1] =	wrdreg $0xFFFFFFFF  }
0xb3: {  	[dreg:$0x0] =	wrdreg $0x60  }
0xb4: {  	[dreg:$0x2] =	wrdreg s24  }
0xb5: {  	[dreg:$0x3] =	wrdreg s16  }
0xb6: {  	[dreg:$0x4] =	wrdreg $0x9  }
0xb7: {  	_ =	task.clear_ibuf [dreg:s7], $0x5FFFF;
	_ =	strace $0x90000049  }
0xb8: {  	s29 =	simm.s32 $0x9;
	_ =	strace $0x8000004B  }
0xb9: {  	_ =	swait.ge [sflag:s29], $0x1  }
0xba: {  	[sflag:s29] =	ssyncadd.s32 $0xFFFFFFFF  }
0xbb: {  	_ =	strace $0x9000004B  }
0xbc: {  	_ =	sfence  }
0xbd: {  	s30 =	sld [smem:$0x0];
	_ =	sdelay $0x2  }
0xbe: {  	s31 =	sshll.u32 s1, $0xD;
	s1 =	sshrl.u32 s1, $0x2  }
0xbf: {  	s3 =	sand.u32 $0x4000, s31;
	s1 =	sadd.s32 s1, s30  }
0xc0: {  	s0 =	sor.u32 s3, s0;
	s1 =	sshll.u32 s1, $0x11  }
0xc1: {  	s0 =	sor.u32 s1, s0  }
0xc2: {  	s0 =	sadd.s32 $0x8F2B, s0  }
0xc3: {  	[sflag:s0] =	ssyncadd.remote.s32 $0x1  }
0xc4: {  	_ =	sfence.sel $0xFFFF  }
0xc5: {  	[dreg:$0x0] =	wrdreg $0xFFFFFFFF;
	(pc) =	sbr.abs _section_cstart, $3  }
0xc6: {  	[dreg:$0x1] =	wrdreg $0xFFFFFFFF  }
0xc7: {  	_ =	task.clear_ibuf [dreg:s7], $0x2FFFF;
	_ =	strace $0x9FFFFFFF  }
0xc8: {  	(tm) =	ssettm $0x7FFFFFFF  }
0xc9: {  	_ =	shalt  }
tec
execute0_lowered:
.L_overlay_start_1:
0x0: {  	(tag) =	ssettag $0x1  }
0x1: {  	s7 =	rddreg [dreg:$0x0]  }
0x2: {  	s2 =	rddreg [dreg:$0x1]  }
0x3: {  	s0 =	rddreg [dreg:$0x2]  }
0x4: {  	s4 =	srdreg.scid;
	s1 =	stileid.u32  }
0x5: {  	s3 =	simm.s32 $0x0;
	s10 =	simm.s32 $0x8000;
	s11 =	simm.s32 $0x2  }
0x6: {  	s12 =	simm.s32 $0x12000;
	s13 =	simm.s32 $0x1;
	s14 =	simm.s32 $0x12050  }
0x7: {  	s15 =	simm.s32 $0x0;
	s4 =	sand.u32 $0x1, s4;
	s5 =	sshll.u32 s1, $0x1  }
0x8: {  	v0 =	vlaneseq.u32;
	[smem:$0x7FF] =	sst s3;
	s8 =	ssub.s32 $0x2, s4;
	s4 =	sor.u32 s4, s5  }
0x9: {  	s6 =	sadd.s32 $0x5DD400, s7;
	v0 =	vmul.u32 $0x200, v0;
	s9 =	sshrl.u32 s8, $0x1;
	s4 =	smul.u32 $0x300, s4  }
0xa: {  	_ =	strace $0x8000004A;
	s5 =	sadd.s32 $0x1400, s7;
	s9 =	ssub.s32 s8, s9  }
0xb: {  	s7 =	sadd.s32 $0x5DE800, s7;
	v1 =	vor.u32 $0x2000, v0;
	v2 =	vor.u32 $0x4000, v0;
	v3 =	vor.u32 $0x6000, v0;
	s8 =	sadd.s32 $0x11700, s4;
	s9 =	smax.u32 s9, $0x1  }
.LBB2_1:
0xc: {  	[tilespmem:s10], [sflag:$0x2] =	stream.linear.gather [hbm4b:s6+s3], $0xA000, $0x38;
	[tilespmem:$0x12190] =	vst v63  }
0xd: {  	_ =	swait.ge [sflag:s11], $0xA000  }
0xe: {  	[sflag:s11] =	ssyncset.done $0x0  }
0xf: {  	[sflag:s11] =	ssyncadd.s32 $0xFFFF6000  }
0x10: {  	[tilespmem:s12], [sflag:$0x2] =	stream.linear.gather [hbm4b:s7+s3], $0x50, $0x38;
	[tilespmem:$0x12190] =	vst v63  }
0x11: {  	_ =	swait.ge [sflag:s11], $0x50  }
0x12: {  	[sflag:s11] =	ssyncset.done $0x0  }
0x13: {  	s16 =	simm.s32 $0x0;
	[sflag:s11] =	ssyncadd.s32 $0xFFFFFFB0  }
.LBB2_2:
0x14: {  	s17 =	sshll.u32 s16, $0x6  }
0x15: {  	s18 =	sadd.s32 s8, s17  }
0x16: {  	s18 =	sshll.u32 s18, $0x6  }
0x17: {  	s18 =	sand.u32 $0x1FFFF000, s18  }
0x18: {  	s19 =	simm.s32 $0x0;
	s18 =	sadd.s32 s5, s18  }
0x19: {  	[tilespmem:s19], [sflag:$0x1] =	stream.linear.gather [hbm4b:s18+s19], $0x8000, $0x38;
	[tilespmem:$0x12190] =	vst v63  }
0x1a: {  	v4 =	vmov s19;
	_ =	swait.ge [sflag:s13], $0x8000  }
0x1b: {  	v4 =	vand.u32 $0x1FF, v4;
	[sflag:s13] =	ssyncset.done $0x0  }
0x1c: {  	v4 =	vbroadcast v4, $0x0;
	[sflag:s13] =	ssyncadd.s32 $0xFFFF8000  }
0x1d: {  	v7 =	vld [tilespmem:$0x12000]  }
0x1e: {  	v8 =	vor.u32 v0, v4;
	v6 =	vld [tilespmem:$0x12010]  }
0x1f: {  	s29 =	simm.s32 $0x1;
	v5 =	vld [tilespmem:$0x12020]  }
0x20: {  	v9 =	vmov s29;
	v4 =	vld [tilespmem:$0x12030]  }
0x21: {  	s30 =	simm.s32 $0x8020;
	v9 =	vand.u32 $0x1FF, v9;
	v10 =	vld [tilespmem:$0x12040]  }
0x22: {  	v11 =	vbroadcast v9, $0x0;
	v13 =	vld [tilespmem:s30+$0x20]  }
0x23: {  	s31 =	simm.s32 $0x2;
	v9 =	vld.idx.msk [tilespmem:v8+s3+$0x0], $0xffff  }
0x24: {  	v16 =	vld [tilespmem:s30+$0xFFFFFFE0];
	v8 =	vor.u32 v0, v11;
	v11 =	vmov s31  }
0x25: {  	v18 =	vld [tilespmem:s30+$0xFFFFFFF0];
	v11 =	vand.u32 $0x1FF, v11  }
0x26: {  	v12 =	vld [tilespmem:s30+$0x0];
	v14 =	vbroadcast v11, $0x0  }
0x27: {  	s18 =	simm.s32 $0x8070;
	v11 =	vld [tilespmem:s30+$0x10]  }
0x28: {  	v15 =	vor.u32 v0, v14;
	v14 =	vld [tilespmem:s18+$0x20];
	v19 =	vmul.f32 v13, v9  }
0x29: {  	v8 =	vld.idx.msk [tilespmem:v8+s3+$0x0], $0xffff;
	v17 =	vmul.f32 v16, v9  }
0x2a: {  	s19 =	simm.s32 $0x3;
	v13 =	vld [tilespmem:s18+$0xFFFFFFE0];
	v16 =	vmul.f32 v18, v9;
	v10 =	vadd.f32 v19, v10  }
.LBB2_3:
0x2b: {  	v18 =	vmov s19;
	p0 =	sne.s32 s19, $0x1FF;
	s19 =	sadd.s32 $0x1, s19;
	v19 =	vld [tilespmem:s18+$0xFFFFFFF0];
	v7 =	vadd.f32 v17, v7;
	v17 =	vmul.f32 v12, v9  }
.Ltmp0:
0x2c: {  	v18 =	vand.u32 $0x1FF, v18;
	v12 =	vld [tilespmem:s18+$0x0];
	v6 =	vadd.f32 v16, v6;
	v20 =	vmul.f32 v11, v9;
	(pc) =	sbr.rel @p0 .LBB2_3-.Ltmp0, $4  }
0x2d: {  	v16 =	vbroadcast v18, $0x0;
	v11 =	vld [tilespmem:s18+$0x10];
	v5 =	vadd.f32 v17, v5  }
0x2e: {  	s18 =	sadd.s32 $0x50, s18;
	v9 =	vmov v8;
	v18 =	vmul.f32 v14, v8;
	v4 =	vadd.f32 v20, v4;
	v8 =	vld.idx.msk [tilespmem:v15+s3+$0x0], $0xffff  }
0x2f: {  	v15 =	vor.u32 v0, v16;
	v14 =	vld [tilespmem:s18+$0x20];
	v17 =	vmul.f32 v13, v9  }
0x30: {  	v13 =	vld [tilespmem:s18+$0xFFFFFFE0];
	v16 =	vmul.f32 v19, v9;
	v10 =	vadd.f32 v18, v10  }
0x31: {  	_ = 	snop  }
0x32: {  	v18 =	vld [tilespmem:s18+$0xFFFFFFF0]  }
0x33: {  	v19 =	vld [tilespmem:s18+$0x0]  }
0x34: {  	v20 =	vld [tilespmem:s18+$0x10]  }
0x35: {  	v15 =	vld.idx.msk [tilespmem:v15+s3+$0x0], $0xffff;
	s28 =	sadd.s32 $0x50, s18  }
0x36: {  	v7 =	vadd.f32 v17, v7;
	v12 =	vmul.f32 v12, v9;
	v17 =	vld [tilespmem:s28+$0xFFFFFFE0]  }
0x37: {  	v9 =	vmul.f32 v11, v9;
	v11 =	vmul.f32 v14, v8;
	v14 =	vld [tilespmem:s28+$0xFFFFFFF0]  }
0x38: {  	v6 =	vadd.f32 v16, v6;
	v16 =	vld [tilespmem:s28+$0x0];
	v5 =	vadd.f32 v12, v5;
	v12 =	vmul.f32 v13, v8  }
0x39: {  	v4 =	vadd.f32 v9, v4;
	v13 =	vmul.f32 v18, v8;
	v9 =	vadd.f32 v11, v10;
	v10 =	vld [tilespmem:s28+$0x10]  }
0x3a: {  	s29 =	simm.s32 $0x0;
	v11 =	vld [tilespmem:s28+$0x20];
	v7 =	vadd.f32 v12, v7;
	v12 =	vmul.f32 v19, v8;
	v8 =	vmul.f32 v20, v8  }
0x3b: {  	v6 =	vadd.f32 v13, v6;
	v13 =	vmul.f32 v17, v15;
	v17 =	vmov s29  }
0x3c: {  	v5 =	vadd.f32 v12, v5;
	v12 =	vmul.f32 v14, v15;
	v14 =	vand.u32 $0x1FF, v17  }
0x3d: {  	v8 =	vadd.f32 v8, v4;
	v7 =	vadd.f32 v13, v7;
	v13 =	vmul.f32 v16, v15  }
0x3e: {  	v14 =	vbroadcast v14, $0x0;
	v6 =	vadd.f32 v12, v6;
	v10 =	vmul.f32 v10, v15  }
0x3f: {  	v4 =	vld [tilespmem:$0x12000];
	v11 =	vmul.f32 v11, v15;
	v5 =	vadd.f32 v13, v5;
	[tilespmem:$0x12050] =	vst v7  }
0x40: {  	v12 =	vor.u32 v1, v14;
	v7 =	vld [tilespmem:$0x12020];
	v8 =	vadd.f32 v10, v8;
	[tilespmem:$0x12060] =	vst v6  }
0x41: {  	s30 =	simm.s32 $0x1;
	v6 =	vld [tilespmem:$0x12010];
	v9 =	vadd.f32 v11, v9;
	[tilespmem:$0x12070] =	vst v5  }
0x42: {  	v10 =	vmov s30;
	v5 =	vld [tilespmem:$0x12030];
	[tilespmem:$0x12080] =	vst v8  }
0x43: {  	s31 =	simm.s32 $0x8020;
	v8 =	vand.u32 $0x1FF, v10;
	[tilespmem:$0x12090] =	vst v9;
	v10 =	vld [tilespmem:$0x12040]  }
0x44: {  	v8 =	vbroadcast v8, $0x0;
	v13 =	vld [tilespmem:s31+$0x20]  }
0x45: {  	s19 =	simm.s32 $0x2;
	v9 =	vld.idx.msk [tilespmem:v12+s3+$0x0], $0xffff  }
0x46: {  	v11 =	vmov s19;
	v16 =	vld [tilespmem:s31+$0xFFFFFFE0];
	v8 =	vor.u32 v1, v8  }
0x47: {  	v11 =	vand.u32 $0x1FF, v11;
	v18 =	vld [tilespmem:s31+$0xFFFFFFF0]  }
0x48: {  	v14 =	vbroadcast v11, $0x0;
	v12 =	vld [tilespmem:s31+$0x0]  }
0x49: {  	s18 =	simm.s32 $0x8070;
	v11 =	vld [tilespmem:s31+$0x10]  }
0x4a: {  	v15 =	vor.u32 v1, v14;
	v14 =	vld [tilespmem:s18+$0x20];
	v19 =	vmul.f32 v13, v9  }
0x4b: {  	v17 =	vmul.f32 v16, v9;
	v8 =	vld.idx.msk [tilespmem:v8+s3+$0x0], $0xffff  }
0x4c: {  	s19 =	simm.s32 $0x3;
	v13 =	vld [tilespmem:s18+$0xFFFFFFE0];
	v16 =	vmul.f32 v18, v9;
	v10 =	vadd.f32 v19, v10  }
.LBB2_5:
0x4d: {  	v18 =	vmov s19;
	p0 =	sne.s32 s19, $0x1FF;
	s19 =	sadd.s32 $0x1, s19;
	v19 =	vld [tilespmem:s18+$0xFFFFFFF0];
	v4 =	vadd.f32 v17, v4;
	v17 =	vmul.f32 v12, v9  }
.Ltmp1:
0x4e: {  	v18 =	vand.u32 $0x1FF, v18;
	v12 =	vld [tilespmem:s18+$0x0];
	v6 =	vadd.f32 v16, v6;
	v20 =	vmul.f32 v11, v9;
	(pc) =	sbr.rel @p0 .LBB2_5-.Ltmp1, $4  }
0x4f: {  	v16 =	vbroadcast v18, $0x0;
	v11 =	vld [tilespmem:s18+$0x10];
	v7 =	vadd.f32 v17, v7  }
0x50: {  	s18 =	sadd.s32 $0x50, s18;
	v9 =	vmov v8;
	v18 =	vmul.f32 v14, v8;
	v5 =	vadd.f32 v20, v5;
	v8 =	vld.idx.msk [tilespmem:v15+s3+$0x0], $0xffff  }
0x51: {  	v15 =	vor.u32 v1, v16;
	v14 =	vld [tilespmem:s18+$0x20];
	v17 =	vmul.f32 v13, v9  }
0x52: {  	v13 =	vld [tilespmem:s18+$0xFFFFFFE0];
	v16 =	vmul.f32 v19, v9;
	v10 =	vadd.f32 v18, v10  }
0x53: {  	_ = 	snop  }
0x54: {  	v18 =	vld [tilespmem:s18+$0xFFFFFFF0]  }
0x55: {  	v19 =	vld [tilespmem:s18+$0x0]  }
0x56: {  	v20 =	vld [tilespmem:s18+$0x10]  }
0x57: {  	v15 =	vld.idx.msk [tilespmem:v15+s3+$0x0], $0xffff;
	s28 =	sadd.s32 $0x50, s18  }
0x58: {  	v4 =	vadd.f32 v17, v4;
	v12 =	vmul.f32 v12, v9;
	v17 =	vld [tilespmem:s28+$0xFFFFFFE0]  }
0x59: {  	v9 =	vmul.f32 v11, v9;
	v11 =	vmul.f32 v14, v8;
	v14 =	vld [tilespmem:s28+$0xFFFFFFF0]  }
0x5a: {  	v6 =	vadd.f32 v16, v6;
	v16 =	vld [tilespmem:s28+$0x0];
	v7 =	vadd.f32 v12, v7;
	v12 =	vmul.f32 v13, v8  }
0x5b: {  	v5 =	vadd.f32 v9, v5;
	v13 =	vmul.f32 v18, v8;
	v9 =	vadd.f32 v11, v10;
	v10 =	vld [tilespmem:s28+$0x10]  }
0x5c: {  	s29 =	simm.s32 $0x0;
	v11 =	vld [tilespmem:s28+$0x20];
	v4 =	vadd.f32 v12, v4;
	v12 =	vmul.f32 v19, v8;
	v8 =	vmul.f32 v20, v8  }
0x5d: {  	v6 =	vadd.f32 v13, v6;
	v13 =	vmul.f32 v17, v15;
	v17 =	vmov s29  }
0x5e: {  	v7 =	vadd.f32 v12, v7;
	v12 =	vmul.f32 v14, v15;
	v14 =	vand.u32 $0x1FF, v17  }
0x5f: {  	v5 =	vadd.f32 v8, v5;
	v4 =	vadd.f32 v13, v4;
	v13 =	vmul.f32 v16, v15  }
0x60: {  	v14 =	vbroadcast v14, $0x0;
	v6 =	vadd.f32 v12, v6;
	v8 =	vmul.f32 v10, v15  }
0x61: {  	v10 =	vmul.f32 v11, v15;
	v7 =	vadd.f32 v13, v7;
	[tilespmem:$0x120A0] =	vst v4;
	v4 =	vld [tilespmem:$0x12000]  }
0x62: {  	v11 =	vor.u32 v2, v14;
	v5 =	vadd.f32 v8, v5;
	[tilespmem:$0x120B0] =	vst v6;
	v6 =	vld [tilespmem:$0x12010]  }
0x63: {  	s30 =	simm.s32 $0x1;
	v8 =	vadd.f32 v10, v9;
	v10 =	vld [tilespmem:$0x12040];
	[tilespmem:$0x120C0] =	vst v7  }
0x64: {  	v9 =	vmov s30;
	v7 =	vld [tilespmem:$0x12020];
	[tilespmem:$0x120D0] =	vst v5  }
0x65: {  	s31 =	simm.s32 $0x8020;
	v9 =	vand.u32 $0x1FF, v9;
	v5 =	vld [tilespmem:$0x12030];
	[tilespmem:$0x120E0] =	vst v8  }
0x66: {  	v8 =	vbroadcast v9, $0x0;
	v13 =	vld [tilespmem:s31+$0x20]  }
0x67: {  	s19 =	simm.s32 $0x2;
	v9 =	vld.idx.msk [tilespmem:v11+s3+$0x0], $0xffff  }
0x68: {  	v16 =	vld [tilespmem:s31+$0xFFFFFFE0];
	v8 =	vor.u32 v2, v8;
	v11 =	vmov s19  }
0x69: {  	v18 =	vld [tilespmem:s31+$0xFFFFFFF0];
	v11 =	vand.u32 $0x1FF, v11  }
0x6a: {  	v12 =	vld [tilespmem:s31+$0x0];
	v14 =	vbroadcast v11, $0x0  }
0x6b: {  	s18 =	simm.s32 $0x8070;
	v11 =	vld [tilespmem:s31+$0x10]  }
0x6c: {  	v15 =	vor.u32 v2, v14;
	v14 =	vld [tilespmem:s18+$0x20];
	v19 =	vmul.f32 v13, v9  }
0x6d: {  	v8 =	vld.idx.msk [tilespmem:v8+s3+$0x0], $0xffff;
	v17 =	vmul.f32 v16, v9  }
0x6e: {  	s19 =	simm.s32 $0x3;
	v13 =	vld [tilespmem:s18+$0xFFFFFFE0];
	v16 =	vmul.f32 v18, v9;
	v10 =	vadd.f32 v19, v10  }
.LBB2_7:
0x6f: {  	v18 =	vmov s19;
	p0 =	sne.s32 s19, $0x1FF;
	s19 =	sadd.s32 $0x1, s19;
	v19 =	vld [tilespmem:s18+$0xFFFFFFF0];
	v4 =	vadd.f32 v17, v4;
	v17 =	vmul.f32 v12, v9  }
.Ltmp2:
0x70: {  	v18 =	vand.u32 $0x1FF, v18;
	v12 =	vld [tilespmem:s18+$0x0];
	v6 =	vadd.f32 v16, v6;
	v20 =	vmul.f32 v11, v9;
	(pc) =	sbr.rel @p0 .LBB2_7-.Ltmp2, $4  }
0x71: {  	v16 =	vbroadcast v18, $0x0;
	v11 =	vld [tilespmem:s18+$0x10];
	v7 =	vadd.f32 v17, v7  }
0x72: {  	s18 =	sadd.s32 $0x50, s18;
	v9 =	vmov v8;
	v18 =	vmul.f32 v14, v8;
	v5 =	vadd.f32 v20, v5;
	v8 =	vld.idx.msk [tilespmem:v15+s3+$0x0], $0xffff  }
0x73: {  	v15 =	vor.u32 v2, v16;
	v14 =	vld [tilespmem:s18+$0x20];
	v17 =	vmul.f32 v13, v9  }
0x74: {  	v13 =	vld [tilespmem:s18+$0xFFFFFFE0];
	v16 =	vmul.f32 v19, v9;
	v10 =	vadd.f32 v18, v10  }
0x75: {  	_ = 	snop  }
0x76: {  	v18 =	vld [tilespmem:s18+$0xFFFFFFF0]  }
0x77: {  	v19 =	vld [tilespmem:s18+$0x0]  }
0x78: {  	v20 =	vld [tilespmem:s18+$0x10]  }
0x79: {  	v15 =	vld.idx.msk [tilespmem:v15+s3+$0x0], $0xffff;
	s28 =	sadd.s32 $0x50, s18  }
0x7a: {  	v4 =	vadd.f32 v17, v4;
	v12 =	vmul.f32 v12, v9;
	v17 =	vld [tilespmem:s28+$0xFFFFFFE0]  }
0x7b: {  	v9 =	vmul.f32 v11, v9;
	v11 =	vmul.f32 v14, v8;
	v14 =	vld [tilespmem:s28+$0xFFFFFFF0]  }
0x7c: {  	v6 =	vadd.f32 v16, v6;
	v16 =	vld [tilespmem:s28+$0x0];
	v7 =	vadd.f32 v12, v7;
	v12 =	vmul.f32 v13, v8  }
0x7d: {  	v5 =	vadd.f32 v9, v5;
	v13 =	vmul.f32 v18, v8;
	v9 =	vadd.f32 v11, v10;
	v10 =	vld [tilespmem:s28+$0x10]  }
0x7e: {  	s29 =	simm.s32 $0x0;
	v11 =	vld [tilespmem:s28+$0x20];
	v4 =	vadd.f32 v12, v4;
	v12 =	vmul.f32 v19, v8;
	v8 =	vmul.f32 v20, v8  }
0x7f: {  	v6 =	vadd.f32 v13, v6;
	v13 =	vmul.f32 v17, v15;
	v17 =	vmov s29  }
0x80: {  	v7 =	vadd.f32 v12, v7;
	v12 =	vmul.f32 v14, v15;
	v14 =	vand.u32 $0x1FF, v17  }
0x81: {  	v5 =	vadd.f32 v8, v5;
	v4 =	vadd.f32 v13, v4;
	v13 =	vmul.f32 v16, v15  }
0x82: {  	v14 =	vbroadcast v14, $0x0;
	v6 =	vadd.f32 v12, v6;
	v8 =	vmul.f32 v10, v15  }
0x83: {  	v10 =	vmul.f32 v11, v15;
	v7 =	vadd.f32 v13, v7;
	[tilespmem:$0x120F0] =	vst v4;
	v4 =	vld [tilespmem:$0x12000]  }
0x84: {  	v11 =	vor.u32 v3, v14;
	v8 =	vadd.f32 v8, v5;
	[tilespmem:$0x12100] =	vst v6;
	v5 =	vld [tilespmem:$0x12010]  }
0x85: {  	s30 =	simm.s32 $0x1;
	v9 =	vadd.f32 v10, v9;
	v6 =	vld [tilespmem:$0x12030];
	[tilespmem:$0x12110] =	vst v7  }
0x86: {  	v10 =	vmov s30;
	v7 =	vld [tilespmem:$0x12020];
	[tilespmem:$0x12120] =	vst v8  }
0x87: {  	s31 =	simm.s32 $0x8020;
	v8 =	vand.u32 $0x1FF, v10;
	[tilespmem:$0x12130] =	vst v9;
	v9 =	vld [tilespmem:$0x12040]  }
0x88: {  	v8 =	vbroadcast v8, $0x0;
	v13 =	vld [tilespmem:s31+$0x20]  }
0x89: {  	v10 =	vld.idx.msk [tilespmem:v11+s3+$0x0], $0xffff  }
0x8a: {  	s19 =	simm.s32 $0x2;
	v14 =	vld [tilespmem:s31+$0xFFFFFFE0];
	v8 =	vor.u32 v3, v8  }
0x8b: {  	v16 =	vld [tilespmem:s31+$0xFFFFFFF0];
	v11 =	vmov s19  }
0x8c: {  	v12 =	vld [tilespmem:s31+$0x0];
	v11 =	vand.u32 $0x1FF, v11  }
0x8d: {  	s18 =	simm.s32 $0x8070;
	v15 =	vbroadcast v11, $0x0;
	v11 =	vld [tilespmem:s31+$0x10]  }
0x8e: {  	v18 =	vmul.f32 v13, v10;
	v13 =	vld [tilespmem:s18+$0x20]  }
0x8f: {  	v15 =	vor.u32 v3, v15;
	v17 =	vmul.f32 v14, v10;
	v8 =	vld.idx.msk [tilespmem:v8+s3+$0x0], $0xffff  }
0x90: {  	s19 =	simm.s32 $0x3;
	v14 =	vld [tilespmem:s18+$0xFFFFFFE0];
	v16 =	vmul.f32 v16, v10;
	v9 =	vadd.f32 v18, v9  }
.LBB2_9:
0x91: {  	v18 =	vmov s19;
	p0 =	sne.s32 s19, $0x1FF;
	s19 =	sadd.s32 $0x1, s19;
	v19 =	vld [tilespmem:s18+$0xFFFFFFF0];
	v4 =	vadd.f32 v17, v4;
	v17 =	vmul.f32 v12, v10  }
.Ltmp3:
0x92: {  	v18 =	vand.u32 $0x1FF, v18;
	v12 =	vld [tilespmem:s18+$0x0];
	v5 =	vadd.f32 v16, v5;
	v20 =	vmul.f32 v11, v10;
	(pc) =	sbr.rel @p0 .LBB2_9-.Ltmp3, $4  }
0x93: {  	v16 =	vbroadcast v18, $0x0;
	v11 =	vld [tilespmem:s18+$0x10];
	v7 =	vadd.f32 v17, v7  }
0x94: {  	s18 =	sadd.s32 $0x50, s18;
	v10 =	vmov v8;
	v18 =	vmul.f32 v13, v8;
	v6 =	vadd.f32 v20, v6;
	v8 =	vld.idx.msk [tilespmem:v15+s3+$0x0], $0xffff  }
0x95: {  	v15 =	vor.u32 v3, v16;
	v13 =	vld [tilespmem:s18+$0x20];
	v17 =	vmul.f32 v14, v10  }
0x96: {  	v14 =	vld [tilespmem:s18+$0xFFFFFFE0];
	v16 =	vmul.f32 v19, v10;
	v9 =	vadd.f32 v18, v9  }
0x97: {  	_ = 	snop  }
0x98: {  	v18 =	vld [tilespmem:s18+$0xFFFFFFF0]  }
0x99: {  	v19 =	vld [tilespmem:s18+$0x0]  }
0x9a: {  	v20 =	vld [tilespmem:s18+$0x10]  }
0x9b: {  	v15 =	vld.idx.msk [tilespmem:v15+s3+$0x0], $0xffff;
	s31 =	sadd.s32 $0x50, s18  }
0x9c: {  	v21 =	vld [tilespmem:s31+$0xFFFFFFE0]  }
0x9d: {  	v12 =	vmul.f32 v12, v10;
	v22 =	vld [tilespmem:s31+$0xFFFFFFF0]  }
0x9e: {  	v4 =	vadd.f32 v17, v4;
	v53 =	vmul.f32 v11, v10;
	v54 =	vld [tilespmem:s31+$0x0]  }
0x9f: {  	v5 =	vadd.f32 v16, v5;
	v56 =	vld [tilespmem:s31+$0x10];
	v7 =	vadd.f32 v12, v7;
	v55 =	vmul.f32 v14, v8  }
0xa0: {  	v57 =	vld [tilespmem:s31+$0x20];
	v13 =	vmul.f32 v13, v8;
	v6 =	vadd.f32 v53, v6;
	v58 =	vmul.f32 v18, v8  }
0xa1: {  	v59 =	vmul.f32 v19, v8;
	v4 =	vadd.f32 v55, v4;
	v60 =	vmul.f32 v21, v15  }
0xa2: {  	v61 =	vmul.f32 v20, v8;
	v62 =	vmul.f32 v22, v15;
	v5 =	vadd.f32 v58, v5  }
0xa3: {  	v11 =	vmul.f32 v54, v15;
	v7 =	vadd.f32 v59, v7;
	v4 =	vadd.f32 v60, v4  }
0xa4: {  	v63 =	vmul.f32 v56, v15;
	v6 =	vadd.f32 v61, v6;
	v5 =	vadd.f32 v62, v5  }
0xa5: {  	s17 =	sadd.s32 s4, s17;
	v9 =	vadd.f32 v13, v9;
	v10 =	vmul.f32 v57, v15;
	v7 =	vadd.f32 v11, v7;
	[tilespmem:$0x12140] =	vst v4  }
0xa6: {  	s17 =	sshrl.u32 s17, $0x4;
	v4 =	vadd.f32 v63, v6;
	[tilespmem:$0x12150] =	vst v5  }
0xa7: {  	s16 =	sadd.s32 $0x1, s16;
	s17 =	smul.u32 $0xA, s17;
	v5 =	vadd.f32 v10, v9;
	[tilespmem:$0x12160] =	vst v7  }
0xa8: {  	p0 =	sne.s32 s16, $0xC;
	[tilespmem:$0x12170] =	vst v4  }
.Ltmp4:
0xa9: {  	s17 =	sadd.s32 s2, s17;
	[tilespmem:$0x12180] =	vst v5;
	(pc) =	sbr.rel @p0 .LBB2_2-.Ltmp4, $4  }
0xaa: {  	[hbm4b:s17+s3] =	stream.linear.scatter [tilespmem:s14], [sflag:$0x2], $0x140, $0x38;
	[tilespmem:$0x12190] =	vst v63  }
0xab: {  	_ =	swait.ge [sflag:s11], $0x140  }
0xac: {  	[sflag:s11] =	ssyncset.done $0x0  }
0xad: {  	[sflag:s11] =	ssyncadd.s32 $0xFFFFFEC0  }
0xae: {  	s15 =	sadd.s32 $0x1, s15  }
0xaf: {  	p0 =	sne.s32 s15, s9  }
.Ltmp5:
0xb0: {  	_ = 	snop;
	(pc) =	sbr.rel @p0 .LBB2_1-.Ltmp5, $1  }
0xb1: {  	_ =	sdelay $0x3  }
0xb2: {  	_ =	sfence.sel $0x180000  }
0xb3: {  	[bflag:$0x0] =	sbarrier.arrive $0xFFFF  }
0xb4: {  	p0 =	sne.s32 s1, $0x0;
	_ =	strace $0x9000004A  }
0xb5: {  	s0 =	sadd.s32 @!p0 $0x100000, s0;
	[bflag:$0x2] =	sbarrier.arrive $0xFFFF  }
0xb6: {  	[sflag:s0] =	ssyncadd.tile.s32 @!p0 $0x1;
	_ =	shalt  }
.Lfunc_end2:
_tile_overlayer_lowered:
.L_overlay_start_2:
0xb7: {  	(tag) =	ssettag $0x2  }
0xb8: {  	s0 =	rddreg [dreg:$0x0];
	s2 =	stileid.u32  }
0xb9: {  	s1 =	rddreg [dreg:$0x1];
	p0 =	sne.s32 s2, $0x0  }
0xba: {  	s3 =	rddreg [dreg:$0x2];
	[bflag:$0x3] =	sbarrier.arrive $0xFFFF;
	s2 =	simm.s32 @!p0 $0x1C02  }
0xbb: {  	[timem:s3], [sflag:s2] =	dma.local @!p0 [hbm:s0], s1  }
0xbc: {  	s0 =	simm.s32 @!p0 $0x2  }
0xbd: {  	_ =	swait.ge @!p0 [sflag:s0], s1  }
0xbe: {  	s1 =	ssub.s32 @!p0 $0x0, s1;
	[sflag:s0] =	ssyncset.done @!p0 $0x0  }
0xbf: {  	[sflag:s0] =	ssyncadd.s32 @!p0 s1  }
0xc0: {  	[bflag:$0x3] =	sbarrier.arrive $0xFFFF  }
0xc1: {  	_ =	shalt  }

// kernel: sparse-core-data-format-call.cloned.1.call-start
scs
called_computation_lowered:
.L_overlay_start_0:
0x0: {  	s2 =	sld [smem:$0x3FD9]  }
0x1: {  	s3 =	sld [smem:$0x3FFE];
	_ =	sdelay $0x1  }
0x2: {  	s1 =	srdreg.scid  }
0x3: {  	s0 =	sand.u32 $0x1, s1  }
0x4: {  	s18 =	sshll.u32 s0, $0xA;
	s2 =	sadd.s32 s3, s2  }
0x5: {  	s2 =	sadd.s32 s2, s18  }
0x6: {  	[smem:$0x3FC3] =	sst s2  }
0x7: {  	_ = 	snop  }
0x8: {  	s2 =	sld [smem:$0x3FC9];
	(tm) =	ssettm $0x1  }
0x9: {  	s19 =	sld [smem:$0x3FFB];
	_ =	sdelay $0x3  }
0xa: {  	_ =	strace s19  }
0xb: {  	s3 =	sld [smem:$0x3FFC];
	_ =	sdelay $0x3  }
0xc: {  	_ =	strace s3  }
0xd: {  	s3 =	sld [smem:$0x3FFD];
	_ =	sdelay $0x3  }
0xe: {  	_ =	strace s3  }
0xf: {  	_ =	strace $0x8FFFFFFF  }
0x10: {  	s20 =	sld [smem:$0x3FDB];
	_ =	sdelay $0x1  }
0x11: {  	s4 =	simm.s32 $_scs_section_size  }
0x12: {  	s5 =	simm.s32 $_size__tile_overlayer_lowered;
	s6 =	simm.s32 $_tile_overlayer_lowered  }
0x13: {  	s23 =	simm.s32 $0x1BFF;
	s22 =	sshll.u32 s6, $0x1;
	s3 =	sadd.s32 s4, s20  }
0x14: {  	s7 =	simm.s32 $0x0;
	s21 =	sshll.u32 s5, $0x1;
	s5 =	sadd.s32 s22, s3  }
0x15: {  	[timem:s7], [sflag:s23] =	dma.local [hbm:s5], s21  }
0x16: {  	_ =	swait.ge [sflag:s23], s21  }
0x17: {  	s4 =	ssub.s32 $0x0, s21;
	[sflag:s23] =	ssyncset.done $0x0  }
0x18: {  	[sflag:s23] =	ssyncadd.s32 s4;
	_ =	sdelay $0x1  }
0x19: {  	s24 =	simm.s32 $0x1B8B  }
0x1a: {  	_ =	swait.ge [sflag:s24], $0x1  }
0x1b: {  	[sflag:s24] =	ssyncset.done $0x0  }
0x1c: {  	s26 =	simm.s32 $0x1B8E;
	s25 =	sld [smem:$0x3FFE];
	[sflag:s24] =	ssyncadd.s32 $0xFFFFFFFF  }
0x1d: {  	s27 =	simm.s32 $execute0_lowered;
	[smem:$0x3FD2] =	sst s26  }
0x1e: {  	s5 =	sshll.u32 s27, $0x1;
	_ =	strace $0x80000046;
	[dreg:$0x1] =	wrdreg $0xFFFFFFFF  }
0x1f: {  	s28 =	simm.s32 $_size_execute0_lowered;
	s3 =	sadd.s32 s3, s5;
	[dreg:$0x0] =	wrdreg $0x0  }
0x20: {  	s5 =	sshll.u32 s28, $0x1;
	[dreg:$0x2] =	wrdreg s3  }
0x21: {  	[dreg:$0x3] =	wrdreg s5  }
0x22: {  	[dreg:$0x4] =	wrdreg $0xC0  }
0x23: {  	_ =	task [dreg:s7], $0x5FFFF  }
0x24: {  	[dreg:$0x1] =	wrdreg $0xFFFFFFFF  }
0x25: {  	[dreg:$0x0] =	wrdreg $0x60  }
0x26: {  	[dreg:$0x2] =	wrdreg s2  }
0x27: {  	[dreg:$0x3] =	wrdreg s25  }
0x28: {  	[dreg:$0x4] =	wrdreg $0x9  }
0x29: {  	_ =	task.clear_ibuf [dreg:s7], $0x5FFFF;
	_ =	strace $0x90000046  }
0x2a: {  	s29 =	simm.s32 $0x9;
	_ =	strace $0x80000048  }
0x2b: {  	_ =	swait.ge [sflag:s29], $0x1  }
0x2c: {  	[sflag:s29] =	ssyncadd.s32 $0xFFFFFFFF  }
0x2d: {  	_ =	strace $0x90000048  }
0x2e: {  	_ =	sfence  }
0x2f: {  	s30 =	sld [smem:$0x0];
	_ =	sdelay $0x2  }
0x30: {  	s31 =	sshll.u32 s1, $0xD;
	s1 =	sshrl.u32 s1, $0x2  }
0x31: {  	s3 =	sand.u32 $0x4000, s31;
	s1 =	sadd.s32 s1, s30  }
0x32: {  	s0 =	sor.u32 s3, s0;
	s1 =	sshll.u32 s1, $0x11  }
0x33: {  	s0 =	sor.u32 s1, s0  }
0x34: {  	s0 =	sadd.s32 $0x8F2B, s0  }
0x35: {  	[sflag:s0] =	ssyncadd.remote.s32 $0x1  }
0x36: {  	_ =	sfence.sel $0xFFFF  }
0x37: {  	[dreg:$0x0] =	wrdreg $0xFFFFFFFF;
	(pc) =	sbr.abs _section_cstart, $3  }
0x38: {  	[dreg:$0x1] =	wrdreg $0xFFFFFFFF  }
0x39: {  	_ =	task.clear_ibuf [dreg:s7], $0x2FFFF;
	_ =	strace $0x9FFFFFFF  }
0x3a: {  	(tm) =	ssettm $0x7FFFFFFF  }
0x3b: {  	_ =	shalt  }
tec
execute0_lowered:
.L_overlay_start_1:
0x0: {  	(tag) =	ssettag $0x1  }
0x1: {  	s0 =	srdreg.scid  }
0x2: {  	s1 =	sshll.u32 s0, $0x4  }
0x3: {  	s2 =	rddreg [dreg:$0x0];
	s0 =	stileid.u32;
	s1 =	sand.u32 $0x10, s1  }
0x4: {  	s4 =	rddreg [dreg:$0x1];
	s7 =	simm.s32 $0x1;
	s1 =	sor.u32 s0, s1  }
0x5: {  	s8 =	simm.s32 $0x2;
	s9 =	simm.s32 $0x0;
	s3 =	sshll.u32 s1, $0x2  }
0x6: {  	s12 =	simm.s32 $0x0;
	s11 =	simm.s32 $0x0;
	s6 =	ssub.s32 $0x2EE0, s3  }
.Ltmp0:
0x7: {  	s4 =	sadd.s32 $0x1400, s4;
	s5 =	sand.u32 $0x7C, s6;
	(pc) =	sbr.rel .LBB1_1-.Ltmp0, $4  }
0x8: {  	s1 =	rddreg [dreg:$0x2];
	_ =	strace $0x80000047;
	p0 =	sne.s32 s5, $0x0  }
0x9: {  	s6 =	sshrl.u32 s6, $0x7;
	s5 =	simm.s32 $0x1;
	s7 =	simm.s32 @!p0 $0x0  }
0xa: {  	s10 =	smov.u32 s3;
	[sflag:s5] =	ssyncpa.u1 $0x0;
	s6 =	sadd.s32 s7, s6  }
0xb: {  	[sflag:s8] =	ssyncpa.u1 $0x0;
	s8 =	simm.s32 $0x0;
	s7 =	sadd.s32 $0x1, s6  }
.LBB1_9:
0xc: {  	s14 =	sadd.s32 $0x80, s10  }
0xd: {  	p1 =	sgt.s32 s14, $0x2EDF  }
0xe: {  	s14 =	smov.u32 @p1 s3;
	p1 =	sne.s32 s11, s7  }
.Ltmp1:
0xf: {  	p0 =	slt.u32 s11, $0x2;
	(pc) =	sbr.rel @!p1 .LBB1_10-.Ltmp1, $4  }
0x10: {  	s13 =	simm.s32 @!p0 $0x2  }
0x11: {  	s15 =	sadd.s32 $0x1, s11;
	_ =	swait.ge @!p0 [sflag:s13], $0x4000  }
0x12: {  	s12 =	smov.u32 s10;
	s9 =	sadd.s32 $0x4000, s9;
	[sflag:s13] =	ssyncset.done @!p0 $0x0  }
0x13: {  	s11 =	smov.u32 s15;
	s10 =	smov.u32 s14;
	[sflag:s13] =	ssyncadd.s32 @!p0 $0xFFFFC000  }
.LBB1_1:
0x14: {  	p0 =	sge.u32 s11, s6  }
0x15: {  	s13 =	sxor.u32 @!p0 $0xFFFFFFFF, s11  }
0x16: {  	s31 =	sadd.s32 $0xFFFFFFFF, s11;
	s14 =	sshll.u32 @!p0 s10, $0x9;
	s13 =	sshll.u32 @!p0 s13, $0xE  }
0x17: {  	s15 =	simm.s32 @!p0 $0x0;
	s14 =	sadd.s32 @!p0 s2, s14;
	s13 =	sand.u32 @!p0 $0x4000, s13  }
0x18: {  	[tilespmem:s13], [sflag:$0x1] =	stream.linear.gather @!p0 [hbm4b:s14+s15], $0x4000, $0x38;
	[tilespmem:$0x10000] =	vst v63  }
0x19: {  	p0 =	sge.u32 s31, s6  }
.Ltmp2:
0x1a: {  	_ = 	snop;
	(pc) =	sbr.rel @p0 .LBB1_9-.Ltmp2, $1  }
0x1b: {  	_ =	sdelay $0x3  }
0x1c: {  	s14 =	sand.u32 $0x4000, s9  }
0x1d: {  	_ =	swait.ge [sflag:s5], $0x4000;
	s15 =	sshll.u32 s11, $0xE;
	s16 =	simm.s32 $0x0  }
0x1e: {  	s13 =	sor.u32 $0x40, s14;
	[sflag:s5] =	ssyncset.done $0x0;
	s15 =	sand.u32 $0x4000, s15  }
0x1f: {  	s14 =	sor.u32 $0x8040, s14;
	[sflag:s5] =	ssyncadd.s32 $0xFFFFC000;
	s15 =	sor.u32 $0x8000, s15  }
.LBB1_3:
0x20: {  	s17 =	smov.u32 s14;
	s18 =	smov.u32 s13;
	s19 =	simm.s32 $0x0  }
.LBB1_4:
0x21: {  	v0 =	vmov s17;
	v2 =	vld [tilespmem:s18+$0x30]  }
0x22: {  	v4 =	vld [tilespmem:s18+$0xFFFFFFD0]  }
0x23: {  	v6 =	vld [tilespmem:s18+$0xFFFFFFE0]  }
0x24: {  	v7 =	vld [tilespmem:s18+$0xFFFFFFF0]  }
0x25: {  	s20 =	simm.s32 $0x0;
	v1 =	vld [tilespmem:s18+$0x0]  }
0x26: {  	v3 =	vld [tilespmem:s18+$0x10];
	[tilespmem:v0+s20+$0x30 ss:$0x1] =	vst.idx.msk $0xffff, v2  }
0x27: {  	v5 =	vld [tilespmem:s18+$0x20];
	[tilespmem:v0+s20+$0xFFFFFFD0 ss:$0x1] =	vst.idx.msk $0xffff, v4  }
0x28: {  	s21 =	sadd.s32 $0x80, s18;
	v2 =	vld [tilespmem:s18+$0xFFFFFFC0];
	[tilespmem:v0+s20+$0xFFFFFFE0 ss:$0x1] =	vst.idx.msk $0xffff, v6  }
0x29: {  	s22 =	simm.s32 $0x800;
	s23 =	simm.s32 $0x1000;
	v4 =	vld [tilespmem:s21+$0x30];
	[tilespmem:v0+s20+$0xFFFFFFF0 ss:$0x1] =	vst.idx.msk $0xffff, v7  }
.LBB1_5:
0x2a: {  	p0 =	sne.s32 s23, $0x3800;
	v6 =	vld [tilespmem:s21+$0xFFFFFFD0];
	[tilespmem:v0+s20+$0x0 ss:$0x1] =	vst.idx.msk $0xffff, v1  }
0x2b: {  	v7 =	vld [tilespmem:s21+$0xFFFFFFE0];
	[tilespmem:v0+s20+$0x10 ss:$0x1] =	vst.idx.msk $0xffff, v3  }
0x2c: {  	v8 =	vld [tilespmem:s21+$0xFFFFFFF0];
	[tilespmem:v0+s20+$0x20 ss:$0x1] =	vst.idx.msk $0xffff, v5  }
.Ltmp3:
0x2d: {  	v1 =	vld [tilespmem:s21+$0x0];
	[tilespmem:v0+s20+$0xFFFFFFC0 ss:$0x1] =	vst.idx.msk $0xffff, v2;
	s20 =	sshra.s32 s22, $0x2;
	s22 =	smov.u32 s23;
	(pc) =	sbr.rel @p0 .LBB1_5-.Ltmp3, $4  }
0x2e: {  	v3 =	vld [tilespmem:s21+$0x10];
	[tilespmem:v0+s20+$0x30 ss:$0x1] =	vst.idx.msk $0xffff, v4  }
0x2f: {  	[tilespmem:v0+s20+$0xFFFFFFD0 ss:$0x1] =	vst.idx.msk $0xffff, v6;
	v5 =	vld [tilespmem:s21+$0x20]  }
0x30: {  	v2 =	vld [tilespmem:s21+$0xFFFFFFC0];
	[tilespmem:v0+s20+$0xFFFFFFE0 ss:$0x1] =	vst.idx.msk $0xffff, v7;
	s21 =	sadd.s32 $0x80, s21  }
0x31: {  	s23 =	sadd.s32 $0x800, s23;
	v4 =	vld [tilespmem:s21+$0x30];
	[tilespmem:v0+s20+$0xFFFFFFF0 ss:$0x1] =	vst.idx.msk $0xffff, v8  }
0x32: {  	_ =	sdelay $0x3  }
0x33: {  	v6 =	vld [tilespmem:s21+$0xFFFFFFD0];
	[tilespmem:v0+s20+$0x0 ss:$0x1] =	vst.idx.msk $0xffff, v1  }
0x34: {  	v58 =	vld [tilespmem:s21+$0xFFFFFFE0];
	[tilespmem:v0+s20+$0x10 ss:$0x1] =	vst.idx.msk $0xffff, v3  }
0x35: {  	v59 =	vld [tilespmem:s21+$0xFFFFFFF0];
	[tilespmem:v0+s20+$0x20 ss:$0x1] =	vst.idx.msk $0xffff, v5  }
0x36: {  	s22 =	sshra.s32 s22, $0x2;
	v60 =	vld [tilespmem:s21+$0x0];
	[tilespmem:v0+s20+$0xFFFFFFC0 ss:$0x1] =	vst.idx.msk $0xffff, v2  }
0x37: {  	v61 =	vld [tilespmem:s21+$0x10];
	[tilespmem:v0+s22+$0x30 ss:$0x1] =	vst.idx.msk $0xffff, v4  }
0x38: {  	v62 =	vld [tilespmem:s21+$0x20];
	s19 =	sadd.s32 $0x1, s19;
	[tilespmem:v0+s22+$0xFFFFFFD0 ss:$0x1] =	vst.idx.msk $0xffff, v6  }
0x39: {  	v63 =	vld [tilespmem:s21+$0xFFFFFFC0];
	p0 =	sne.s32 s19, $0x4;
	[tilespmem:v0+s22+$0xFFFFFFE0 ss:$0x1] =	vst.idx.msk $0xffff, v58  }
.Ltmp4:
0x3a: {  	[tilespmem:v0+s22+$0xFFFFFFF0 ss:$0x1] =	vst.idx.msk $0xffff, v59;
	(pc) =	sbr.rel @p0 .LBB1_4-.Ltmp4, $4  }
0x3b: {  	[tilespmem:v0+s22+$0x0 ss:$0x1] =	vst.idx.msk $0xffff, v60  }
0x3c: {  	[tilespmem:v0+s22+$0x10 ss:$0x1] =	vst.idx.msk $0xffff, v61  }
0x3d: {  	[tilespmem:v0+s22+$0x20 ss:$0x1] =	vst.idx.msk $0xffff, v62  }
0x3e: {  	s18 =	sadd.s32 $0x400, s18;
	s17 =	sadd.s32 $0x80, s17;
	[tilespmem:v0+s22+$0xFFFFFFC0 ss:$0x1] =	vst.idx.msk $0xffff, v63  }
0x3f: {  	s16 =	sadd.s32 $0x1, s16  }
0x40: {  	p0 =	sne.s32 s16, $0x4  }
.Ltmp5:
0x41: {  	_ = 	snop;
	(pc) =	sbr.rel @p0 .LBB1_3-.Ltmp5, $2  }
0x42: {  	_ =	sdelay $0x2  }
0x43: {  	s13 =	sadd.s32 $0x1000, s13;
	s14 =	sadd.s32 $0x1000, s14  }
.Ltmp6:
0x44: {  	(pc) =	sbr.rel .LBB1_9-.Ltmp6, $4  }
0x45: {  	_ = 	snop  }
0x46: {  	s12 =	sshll.u32 s12, $0x9  }
0x47: {  	s12 =	sadd.s32 s4, s12  }
0x48: {  	[hbm4b:s12+s8] =	stream.linear.scatter [tilespmem:s15], [sflag:$0x2], $0x4000, $0x38;
	[tilespmem:$0x10000] =	vst v63  }
.LBB1_10:
0x49: {  	_ =	sfence.sel $0x180000  }
0x4a: {  	s2 =	simm.s32 $0x1;
	[bflag:$0x0] =	sbarrier.arrive $0xFFFF  }
0x4b: {  	s31 =	simm.s32 $0x2;
	[sflag:s2] =	ssyncpa.u1 $0x1  }
0x4c: {  	[sflag:s31] =	ssyncpa.u1 $0x1  }
0x4d: {  	p0 =	sne.s32 s0, $0x0;
	_ =	strace $0x90000047  }
0x4e: {  	s0 =	sadd.s32 @!p0 $0x100000, s1;
	[bflag:$0x2] =	sbarrier.arrive $0xFFFF  }
0x4f: {  	[sflag:s0] =	ssyncadd.tile.s32 @!p0 $0x1;
	_ =	shalt  }
.Lfunc_end1:
_tile_overlayer_lowered:
.L_overlay_start_2:
0x50: {  	(tag) =	ssettag $0x2  }
0x51: {  	s0 =	rddreg [dreg:$0x0];
	s2 =	stileid.u32  }
0x52: {  	s1 =	rddreg [dreg:$0x1];
	p0 =	sne.s32 s2, $0x0  }
0x53: {  	s3 =	rddreg [dreg:$0x2];
	[bflag:$0x3] =	sbarrier.arrive $0xFFFF;
	s2 =	simm.s32 @!p0 $0x1C01  }
0x54: {  	[timem:s3], [sflag:s2] =	dma.local @!p0 [hbm:s0], s1  }
0x55: {  	s0 =	simm.s32 @!p0 $0x1  }
0x56: {  	_ =	swait.ge @!p0 [sflag:s0], s1  }
0x57: {  	s1 =	ssub.s32 @!p0 $0x0, s1;
	[sflag:s0] =	ssyncset.done @!p0 $0x0  }
0x58: {  	[sflag:s0] =	ssyncadd.s32 @!p0 s1  }
0x59: {  	[bflag:$0x3] =	sbarrier.arrive $0xFFFF  }
0x5a: {  	_ =	shalt  }

</sc_bundles>
